<compile_context>
chip_gen: v7x
topology: tpu7x:2x2x1
jax: 0.10.2.dev20260603
libtpu: 0.0.44.dev20260713+nightly
codegen_flags: <defaults>
</compile_context>

<pallas_src>
import jax
import jax.numpy as jnp
from jax import lax
from jax.experimental import pallas as pl
from jax.experimental.pallas import tpu as pltpu
from jax.experimental.pallas import tpu_sc as plsc

B_TOK = 8192
D = 1024
NC, NS, L = 2, 16, 16
NW = NC * NS
TOK_PER_W = B_TOK // NW
SEQ = 2048
C = 16
NCHUNK = TOK_PER_W // C
NB = 3
SCALE = 32.0


def _emb_body(word_hbm, pos_tab_hbm, ids_hbm, pos_hbm, out_hbm,
              idw_v, idp_v,
              w0, w1, w2, p0, p1, p2,
              sw0, sw1, sw2, sp0, sp1, sp2, so0, so1, so2):
    bufw = (w0, w1, w2)
    bufp = (p0, p1, p2)
    semw = (sw0, sw1, sw2)
    semp = (sp0, sp1, sp2)
    semo = (so0, so1, so2)

    wid = lax.axis_index("s") * NC + lax.axis_index("c")
    base = wid * TOK_PER_W
    row = wid // (SEQ // TOK_PER_W)
    col = pl.multiple_of((wid % (SEQ // TOK_PER_W)) * TOK_PER_W, 8)
    ic_w = pltpu.make_async_copy(ids_hbm.at[row, pl.ds(col, TOK_PER_W)], idw_v, sw0)
    ic_p = pltpu.make_async_copy(pos_hbm.at[row, pl.ds(col, TOK_PER_W)], idp_v, sp0)
    ic_w.start()
    ic_p.start()
    ic_w.wait()
    ic_p.wait()

    def word_desc(j, b):
        idx = idw_v.at[pl.ds(pl.multiple_of(j * C, 8), C)]
        return pltpu.make_async_copy(word_hbm.at[idx], bufw[b], semw[b])

    def pos_desc(j, b):
        idx = idp_v.at[pl.ds(pl.multiple_of(j * C, 8), C)]
        return pltpu.make_async_copy(pos_tab_hbm.at[idx], bufp[b], semp[b])

    def out_desc(j, b):
        off = pl.multiple_of(base + j * C, 8)
        return pltpu.make_async_copy(bufp[b], out_hbm.at[pl.ds(off, C)], semo[b])

    def do_chunk(j, b, prefetch):
        word_desc(j, b).wait()
        pos_desc(j, b).wait()
        wb, pb = bufw[b], bufp[b]

        @plsc.parallel_loop(0, C * D, step=L, unroll=4)
        def _(i):
            r = lax.shift_right_logical(i, 10)
            c0 = pl.multiple_of(lax.bitwise_and(i, D - 1), L)
            pb[r, pl.ds(c0, L)] = wb[r, pl.ds(c0, L)] * SCALE + pb[r, pl.ds(c0, L)]

        out_desc(j, b).start()
        if prefetch:
            @pl.when(j + NB < NCHUNK)
            def _():
                word_desc(j + NB, b).start()

            @pl.when(j + 2 < NCHUNK)
            def _():
                @pl.when(j >= 1)
                def _():
                    out_desc(j - 1, (b + 2) % NB).wait()

                pos_desc(j + 2, (b + 2) % NB).start()

    for b in range(NB):
        word_desc(b, b).start()
    for b in range(2):
        pos_desc(b, b).start()

    @pl.loop(0, NCHUNK - 1, step=NB)
    def _(jj):
        for b in range(NB):
            do_chunk(jj + b, b, True)

    do_chunk(NCHUNK - 1, (NCHUNK - 1) % NB, False)
    for j in range(NCHUNK - NB, NCHUNK):
        out_desc(j, j % NB).wait()


def kernel(input_ids, position_ids, word_embeddings, position_embeddings):
    b, s = input_ids.shape
    ids = input_ids.astype(jnp.int32)
    pos = position_ids.astype(jnp.int32)
    mesh = plsc.VectorSubcoreMesh(core_axis_name="c", subcore_axis_name="s")
    k = pl.kernel(
        _emb_body,
        out_type=jax.ShapeDtypeStruct((B_TOK, D), jnp.float32),
        mesh=mesh,
        scratch_types=(
            [pltpu.VMEM((TOK_PER_W,), jnp.int32)] * 2
            + [pltpu.VMEM((C, D), jnp.float32)] * (2 * NB)
            + [pltpu.SemaphoreType.DMA] * (3 * NB)
        ),
    )
    out = k(word_embeddings, position_embeddings, ids, pos)
    return out.reshape(b, s, D)

# --- scband reference (transcript-rebuilt; emitter-appended) ---
"""Pipeline reference for scband-code-gen-embeddings-72413148610767 (READ-ONLY COPY).

The authoritative reference and input builder live on the scoring server;
editing this copy changes nothing except your own understanding.
"""

import jax, jax.numpy as jnp
import numpy as np
import math

VOCAB = 50400
MAX_POS = 2048
PAD = 1
D_MODEL = 1024
BATCH = 4
SEQ = 2048
EMBED_SCALE = math.sqrt(D_MODEL)  # no_scale_embedding = False


def setup_inputs(seed: int = 0) -> dict:
    key = jax.random.key(seed)
    k1, k2, k3, k4 = jax.random.split(key, 4)
    input_ids = jax.random.randint(k1, (BATCH, SEQ), 0, VOCAB, dtype=jnp.int64 if jax.config.jax_enable_x64 else jnp.int32)
    position_ids = jax.random.randint(k2, (BATCH, SEQ), 0, MAX_POS + PAD + 1, dtype=jnp.int64 if jax.config.jax_enable_x64 else jnp.int32)
    word_embeddings = jax.random.normal(k3, (VOCAB, D_MODEL), dtype=jnp.float32) * 0.02
    position_embeddings = jax.random.normal(k4, (MAX_POS + PAD + 1, D_MODEL), dtype=jnp.float32) * 0.02
    return {
        "input_ids": input_ids,
        "position_ids": position_ids,
        "word_embeddings": word_embeddings,
        "position_embeddings": position_embeddings,
    }


def reference(input_ids, position_ids, word_embeddings, position_embeddings):
    # CodeGenEmbeddings.__call__
    ids = input_ids.astype(jnp.int32)
    pos = position_ids.astype(jnp.int32)
    inputs_embeds = EMBED_SCALE * jnp.take(word_embeddings, ids, axis=0)
    # decoder_input_dim == decoder_embed_dim -> project_in_dim is None
    position_embeds = jnp.take(position_embeddings, pos, axis=0)
    hidden_states = inputs_embeds + position_embeds
    return hidden_states

if __name__ == "__main__":
    import jax
    _d = setup_inputs()
    print(jax.jit(kernel)(*tuple(_d.values())))

</pallas_src>

<mosaic_0001>
#map = affine_map<(d0, d1) -> (0, 0)>
module attributes {stable_mosaic.version = 14 : i64} {
  func.func @_emb_body(%arg0: i32, %arg1: i32, %arg2: memref<50400x1024xf32, #tpu.memory_space<hbm>>, %arg3: memref<2050x1024xf32, #tpu.memory_space<hbm>>, %arg4: memref<4x2048xi32, #tpu.memory_space<hbm>>, %arg5: memref<4x2048xi32, #tpu.memory_space<hbm>>, %arg6: memref<8192x1024xf32, #tpu.memory_space<hbm>>, %arg7: memref<256xi32, #tpu.memory_space<vmem>>, %arg8: memref<256xi32, #tpu.memory_space<vmem>>, %arg9: memref<16x1024xf32, #tpu.memory_space<vmem>>, %arg10: memref<16x1024xf32, #tpu.memory_space<vmem>>, %arg11: memref<16x1024xf32, #tpu.memory_space<vmem>>, %arg12: memref<16x1024xf32, #tpu.memory_space<vmem>>, %arg13: memref<16x1024xf32, #tpu.memory_space<vmem>>, %arg14: memref<16x1024xf32, #tpu.memory_space<vmem>>, %arg15: memref<!tpu.dma_semaphore, #tpu.memory_space<semaphore_mem>>, %arg16: memref<!tpu.dma_semaphore, #tpu.memory_space<semaphore_mem>>, %arg17: memref<!tpu.dma_semaphore, #tpu.memory_space<semaphore_mem>>, %arg18: memref<!tpu.dma_semaphore, #tpu.memory_space<semaphore_mem>>, %arg19: memref<!tpu.dma_semaphore, #tpu.memory_space<semaphore_mem>>, %arg20: memref<!tpu.dma_semaphore, #tpu.memory_space<semaphore_mem>>, %arg21: memref<!tpu.dma_semaphore, #tpu.memory_space<semaphore_mem>>, %arg22: memref<!tpu.dma_semaphore, #tpu.memory_space<semaphore_mem>>, %arg23: memref<!tpu.dma_semaphore, #tpu.memory_space<semaphore_mem>>) attributes {dimension_semantics = [#tpu.dimension_semantics<core_parallel>, #tpu.dimension_semantics<subcore_parallel>], iteration_bounds = array<i64: 2, 16>, scalar_prefetch = 0 : i64, scratch_operands = 17 : i64, tpu.core_type = #tpu.core_type<sc_vector_subcore>, window_params = [{transform_indices = #map}, {transform_indices = #map}, {transform_indices = #map}, {transform_indices = #map}, {transform_indices = #map}]} {
    %mul3A = arith.constant 2 : i32
    %mul3A_0 = arith.muli %arg1, %mul3A : i32
    %add3A = arith.addi %mul3A_0, %arg0 : i32
    %mul3A_1 = arith.constant 256 : i32
    %mul3A_2 = arith.muli %add3A, %mul3A_1 : i32
    %jit3A = arith.constant 8 : i32
    %div3A = arith.divsi %add3A, %jit3A : i32
    %sign3A = arith.constant 0 : i32
    %sign3A_3 = arith.cmpi sgt, %add3A, %sign3A : i32
    %sign3A_4 = arith.extui %sign3A_3 : i1 to i32
    %sign3A_5 = arith.constant 0 : i32
    %sign3A_6 = arith.cmpi slt, %add3A, %sign3A_5 : i32
    %sign3A_7 = arith.extui %sign3A_6 : i1 to i32
    %sign3A_8 = arith.subi %sign3A_4, %sign3A_7 : i32
    %sign3A_9 = arith.constant 0 : i32
    %sign3A_10 = arith.cmpi sgt, %jit3A, %sign3A_9 : i32
    %sign3A_11 = arith.extui %sign3A_10 : i1 to i32
    %sign3A_12 = arith.constant 0 : i32
    %sign3A_13 = arith.cmpi slt, %jit3A, %sign3A_12 : i32
    %sign3A_14 = arith.extui %sign3A_13 : i1 to i32
    %sign3A_15 = arith.subi %sign3A_11, %sign3A_14 : i32
    %ne3A = arith.cmpi ne, %sign3A_8, %sign3A_15 : i32
    %rem3A = arith.remsi %add3A, %jit3A : i32
    %ne3A_16 = arith.constant 0 : i32
    %ne3A_17 = arith.cmpi ne, %rem3A, %ne3A_16 : i32
    %and3A = arith.andi %ne3A, %ne3A_17 : i1
    %sub3A = arith.constant 1 : i32
    %sub3A_18 = arith.subi %div3A, %sub3A : i32
    %select_n3A = arith.select %and3A, %sub3A_18, %div3A : i32
    %jit3A_19 = arith.constant 8 : i32
    %eq3A = arith.constant 0 : i32
    %eq3A_20 = arith.cmpi eq, %jit3A_19, %eq3A : i32
    %jit3A_21 = arith.constant 1 : i32
    %select_n3A_22 = arith.select %eq3A_20, %jit3A_21, %jit3A_19 : i32
    %rem3A_23 = arith.remsi %add3A, %select_n3A_22 : i32
    %ne3A_24 = arith.constant 0 : i32
    %ne3A_25 = arith.cmpi ne, %rem3A_23, %ne3A_24 : i32
    %lt3A = arith.constant 0 : i32
    %lt3A_26 = arith.cmpi slt, %rem3A_23, %lt3A : i32
    %lt3A_27 = arith.constant 0 : i32
    %lt3A_28 = arith.cmpi slt, %select_n3A_22, %lt3A_27 : i32
    %ne3A_29 = arith.xori %lt3A_26, %lt3A_28 : i1
    %and3A_30 = arith.andi %ne3A_29, %ne3A_25 : i1
    %add3A_31 = arith.addi %rem3A_23, %select_n3A_22 : i32
    %select_n3A_32 = arith.select %and3A_30, %add3A_31, %rem3A_23 : i32
    %mul3A_33 = arith.constant 256 : i32
    %mul3A_34 = arith.muli %select_n3A_32, %mul3A_33 : i32
    %multiple_of3A = tpu.assume_multiple %mul3A_34, 8 : i32
    %dma_start3A = tpu.memref_slice %arg4[%select_n3A, %multiple_of3A] : memref<4x2048xi32, #tpu.memory_space<hbm>> -> memref<1x256xi32, #tpu.memory_space<hbm>>
    %dma_start3A_35 = tpu.memref_squeeze %dma_start3A : memref<1x256xi32, #tpu.memory_space<hbm>> -> memref<256xi32, #tpu.memory_space<hbm>>
    %dma_start3A_36 = tpu.memref_slice %arg4[%select_n3A, %multiple_of3A] : memref<4x2048xi32, #tpu.memory_space<hbm>> -> memref<1x256xi32, #tpu.memory_space<hbm>>
    %dma_start3A_37 = tpu.memref_squeeze %dma_start3A_36 : memref<1x256xi32, #tpu.memory_space<hbm>> -> memref<256xi32, #tpu.memory_space<hbm>>
    tpu.enqueue_dma source(%dma_start3A_37 : memref<256xi32, #tpu.memory_space<hbm>>) target(%arg7 : memref<256xi32, #tpu.memory_space<vmem>>) target_semaphore(%arg15 : memref<!tpu.dma_semaphore, #tpu.memory_space<semaphore_mem>>)
    %dma_start3A_38 = tpu.memref_slice %arg5[%select_n3A, %multiple_of3A] : memref<4x2048xi32, #tpu.memory_space<hbm>> -> memref<1x256xi32, #tpu.memory_space<hbm>>
    %dma_start3A_39 = tpu.memref_squeeze %dma_start3A_38 : memref<1x256xi32, #tpu.memory_space<hbm>> -> memref<256xi32, #tpu.memory_space<hbm>>
    %dma_start3A_40 = tpu.memref_slice %arg5[%select_n3A, %multiple_of3A] : memref<4x2048xi32, #tpu.memory_space<hbm>> -> memref<1x256xi32, #tpu.memory_space<hbm>>
    %dma_start3A_41 = tpu.memref_squeeze %dma_start3A_40 : memref<1x256xi32, #tpu.memory_space<hbm>> -> memref<256xi32, #tpu.memory_space<hbm>>
    tpu.enqueue_dma source(%dma_start3A_41 : memref<256xi32, #tpu.memory_space<hbm>>) target(%arg8 : memref<256xi32, #tpu.memory_space<vmem>>) target_semaphore(%arg18 : memref<!tpu.dma_semaphore, #tpu.memory_space<semaphore_mem>>)
    %dma_wait3A = tpu.memref_slice %arg4[%select_n3A, %multiple_of3A] : memref<4x2048xi32, #tpu.memory_space<hbm>> -> memref<1x256xi32, #tpu.memory_space<hbm>>
    %dma_wait3A_42 = tpu.memref_squeeze %dma_wait3A : memref<1x256xi32, #tpu.memory_space<hbm>> -> memref<256xi32, #tpu.memory_space<hbm>>
    %dma_wait3A_43 = tpu.memref_slice %arg4[%select_n3A, %multiple_of3A] : memref<4x2048xi32, #tpu.memory_space<hbm>> -> memref<1x256xi32, #tpu.memory_space<hbm>>
    %dma_wait3A_44 = tpu.memref_squeeze %dma_wait3A_43 : memref<1x256xi32, #tpu.memory_space<hbm>> -> memref<256xi32, #tpu.memory_space<hbm>>
    tpu.wait_dma2 semaphore(%arg15 : memref<!tpu.dma_semaphore, #tpu.memory_space<semaphore_mem>>) src(%dma_wait3A_44 : memref<256xi32, #tpu.memory_space<hbm>>) dst(%arg7 : memref<256xi32, #tpu.memory_space<vmem>>)
    %dma_wait3A_45 = tpu.memref_slice %arg5[%select_n3A, %multiple_of3A] : memref<4x2048xi32, #tpu.memory_space<hbm>> -> memref<1x256xi32, #tpu.memory_space<hbm>>
    %dma_wait3A_46 = tpu.memref_squeeze %dma_wait3A_45 : memref<1x256xi32, #tpu.memory_space<hbm>> -> memref<256xi32, #tpu.memory_space<hbm>>
    %dma_wait3A_47 = tpu.memref_slice %arg5[%select_n3A, %multiple_of3A] : memref<4x2048xi32, #tpu.memory_space<hbm>> -> memref<1x256xi32, #tpu.memory_space<hbm>>
    %dma_wait3A_48 = tpu.memref_squeeze %dma_wait3A_47 : memref<1x256xi32, #tpu.memory_space<hbm>> -> memref<256xi32, #tpu.memory_space<hbm>>
    tpu.wait_dma2 semaphore(%arg18 : memref<!tpu.dma_semaphore, #tpu.memory_space<semaphore_mem>>) src(%dma_wait3A_48 : memref<256xi32, #tpu.memory_space<hbm>>) dst(%arg8 : memref<256xi32, #tpu.memory_space<vmem>>)
    %multiple_of3A_49 = arith.constant 0 : i32
    %multiple_of3A_50 = tpu.assume_multiple %multiple_of3A_49, 8 : i32
    %dma_start3A_51 = tpu.memref_slice %arg7[%multiple_of3A_50] : memref<256xi32, #tpu.memory_space<vmem>> -> memref<16xi32, #tpu.memory_space<vmem>>
    %dma_start3A_52 = arith.constant 0 : i32
    %dma_start3A_53 = arith.constant 0 : i32
    %dma_start3A_54 = tpu.memref_slice %arg2[%dma_start3A_52, %dma_start3A_53] : memref<50400x1024xf32, #tpu.memory_space<hbm>> -> memref<50400x1024xf32, #tpu.memory_space<hbm>>
    tpu.enqueue_indirect_dma source(%dma_start3A_54 : memref<50400x1024xf32, #tpu.memory_space<hbm>>) target(%arg9 : memref<16x1024xf32, #tpu.memory_space<vmem>>) offsets(%dma_start3A_51 : memref<16xi32, #tpu.memory_space<vmem>>) semaphore(%arg15 : memref<!tpu.dma_semaphore, #tpu.memory_space<semaphore_mem>>)
    %multiple_of3A_55 = arith.constant 16 : i32
    %multiple_of3A_56 = tpu.assume_multiple %multiple_of3A_55, 8 : i32
    %dma_start3A_57 = tpu.memref_slice %arg7[%multiple_of3A_56] : memref<256xi32, #tpu.memory_space<vmem>> -> memref<16xi32, #tpu.memory_space<vmem>>
    %dma_start3A_58 = arith.constant 0 : i32
    %dma_start3A_59 = arith.constant 0 : i32
    %dma_start3A_60 = tpu.memref_slice %arg2[%dma_start3A_58, %dma_start3A_59] : memref<50400x1024xf32, #tpu.memory_space<hbm>> -> memref<50400x1024xf32, #tpu.memory_space<hbm>>
    tpu.enqueue_indirect_dma source(%dma_start3A_60 : memref<50400x1024xf32, #tpu.memory_space<hbm>>) target(%arg10 : memref<16x1024xf32, #tpu.memory_space<vmem>>) offsets(%dma_start3A_57 : memref<16xi32, #tpu.memory_space<vmem>>) semaphore(%arg16 : memref<!tpu.dma_semaphore, #tpu.memory_space<semaphore_mem>>)
    %multiple_of3A_61 = arith.constant 32 : i32
    %multiple_of3A_62 = tpu.assume_multiple %multiple_of3A_61, 8 : i32
    %dma_start3A_63 = tpu.memref_slice %arg7[%multiple_of3A_62] : memref<256xi32, #tpu.memory_space<vmem>> -> memref<16xi32, #tpu.memory_space<vmem>>
    %dma_start3A_64 = arith.constant 0 : i32
    %dma_start3A_65 = arith.constant 0 : i32
    %dma_start3A_66 = tpu.memref_slice %arg2[%dma_start3A_64, %dma_start3A_65] : memref<50400x1024xf32, #tpu.memory_space<hbm>> -> memref<50400x1024xf32, #tpu.memory_space<hbm>>
    tpu.enqueue_indirect_dma source(%dma_start3A_66 : memref<50400x1024xf32, #tpu.memory_space<hbm>>) target(%arg11 : memref<16x1024xf32, #tpu.memory_space<vmem>>) offsets(%dma_start3A_63 : memref<16xi32, #tpu.memory_space<vmem>>) semaphore(%arg17 : memref<!tpu.dma_semaphore, #tpu.memory_space<semaphore_mem>>)
    %multiple_of3A_67 = arith.constant 0 : i32
    %multiple_of3A_68 = tpu.assume_multiple %multiple_of3A_67, 8 : i32
    %dma_start3A_69 = tpu.memref_slice %arg8[%multiple_of3A_68] : memref<256xi32, #tpu.memory_space<vmem>> -> memref<16xi32, #tpu.memory_space<vmem>>
    %dma_start3A_70 = arith.constant 0 : i32
    %dma_start3A_71 = arith.constant 0 : i32
    %dma_start3A_72 = tpu.memref_slice %arg3[%dma_start3A_70, %dma_start3A_71] : memref<2050x1024xf32, #tpu.memory_space<hbm>> -> memref<2050x1024xf32, #tpu.memory_space<hbm>>
    tpu.enqueue_indirect_dma source(%dma_start3A_72 : memref<2050x1024xf32, #tpu.memory_space<hbm>>) target(%arg12 : memref<16x1024xf32, #tpu.memory_space<vmem>>) offsets(%dma_start3A_69 : memref<16xi32, #tpu.memory_space<vmem>>) semaphore(%arg18 : memref<!tpu.dma_semaphore, #tpu.memory_space<semaphore_mem>>)
    %multiple_of3A_73 = arith.constant 16 : i32
    %multiple_of3A_74 = tpu.assume_multiple %multiple_of3A_73, 8 : i32
    %dma_start3A_75 = tpu.memref_slice %arg8[%multiple_of3A_74] : memref<256xi32, #tpu.memory_space<vmem>> -> memref<16xi32, #tpu.memory_space<vmem>>
    %dma_start3A_76 = arith.constant 0 : i32
    %dma_start3A_77 = arith.constant 0 : i32
    %dma_start3A_78 = tpu.memref_slice %arg3[%dma_start3A_76, %dma_start3A_77] : memref<2050x1024xf32, #tpu.memory_space<hbm>> -> memref<2050x1024xf32, #tpu.memory_space<hbm>>
    tpu.enqueue_indirect_dma source(%dma_start3A_78 : memref<2050x1024xf32, #tpu.memory_space<hbm>>) target(%arg13 : memref<16x1024xf32, #tpu.memory_space<vmem>>) offsets(%dma_start3A_75 : memref<16xi32, #tpu.memory_space<vmem>>) semaphore(%arg19 : memref<!tpu.dma_semaphore, #tpu.memory_space<semaphore_mem>>)
    %scan3A = arith.constant 0 : i32
    %scan3A_79 = arith.constant 5 : i32
    %scan3A_80 = arith.addi %scan3A, %scan3A_79 : i32
    %scan3A_81 = arith.constant 1 : i32
    scf.for %scan3A_125 = %scan3A to %scan3A_80 step %scan3A_81  : i32 {
      %mul3A_126 = arith.constant 3 : i32
      %mul3A_127 = arith.muli %scan3A_125, %mul3A_126 : i32
      %add3A_128 = arith.constant 0 : i32
      %add3A_129 = arith.addi %add3A_128, %mul3A_127 : i32
      %add3A_130 = arith.constant 0 : i32
      %add3A_131 = arith.addi %add3A_129, %add3A_130 : i32
      %mul3A_132 = arith.constant 16 : i32
      %mul3A_133 = arith.muli %add3A_131, %mul3A_132 : i32
      %multiple_of3A_134 = tpu.assume_multiple %mul3A_133, 8 : i32
      %dma_wait3A_135 = tpu.memref_slice %arg7[%multiple_of3A_134] : memref<256xi32, #tpu.memory_space<vmem>> -> memref<16xi32, #tpu.memory_space<vmem>>
      %dma_wait3A_136 = arith.constant 0 : i32
      %dma_wait3A_137 = arith.constant 0 : i32
      %dma_wait3A_138 = tpu.memref_slice %arg2[%dma_wait3A_136, %dma_wait3A_137] : memref<50400x1024xf32, #tpu.memory_space<hbm>> -> memref<50400x1024xf32, #tpu.memory_space<hbm>>
      tpu.wait_indirect_dma semaphore(%arg15 : memref<!tpu.dma_semaphore, #tpu.memory_space<semaphore_mem>>) src(%dma_wait3A_138 : memref<50400x1024xf32, #tpu.memory_space<hbm>>) dst(%arg9 : memref<16x1024xf32, #tpu.memory_space<vmem>>)
      %mul3A_139 = arith.constant 16 : i32
      %mul3A_140 = arith.muli %add3A_131, %mul3A_139 : i32
      %multiple_of3A_141 = tpu.assume_multiple %mul3A_140, 8 : i32
      %dma_wait3A_142 = tpu.memref_slice %arg8[%multiple_of3A_141] : memref<256xi32, #tpu.memory_space<vmem>> -> memref<16xi32, #tpu.memory_space<vmem>>
      %dma_wait3A_143 = arith.constant 0 : i32
      %dma_wait3A_144 = arith.constant 0 : i32
      %dma_wait3A_145 = tpu.memref_slice %arg3[%dma_wait3A_143, %dma_wait3A_144] : memref<2050x1024xf32, #tpu.memory_space<hbm>> -> memref<2050x1024xf32, #tpu.memory_space<hbm>>
      tpu.wait_indirect_dma semaphore(%arg18 : memref<!tpu.dma_semaphore, #tpu.memory_space<semaphore_mem>>) src(%dma_wait3A_145 : memref<2050x1024xf32, #tpu.memory_space<hbm>>) dst(%arg12 : memref<16x1024xf32, #tpu.memory_space<vmem>>)
      %parallel_loop3A_146 = arith.constant 0 : i32
      %parallel_loop3A_147 = arith.constant 16384 : i32
      %parallel_loop3A_148 = arith.constant 16 : i32
      scf.for %parallel_loop3A_251 = %parallel_loop3A_146 to %parallel_loop3A_147 step %parallel_loop3A_148  : i32 {
        %parallel_loop3A_252 = arith.constant 10 : i32
        %parallel_loop3A_253 = arith.shrui %parallel_loop3A_251, %parallel_loop3A_252 : i32
        %parallel_loop3A_254 = arith.constant 1023 : i32
        %parallel_loop3A_255 = arith.andi %parallel_loop3A_251, %parallel_loop3A_254 : i32
        %parallel_loop3A_256 = tpu.assume_multiple %parallel_loop3A_255, 16 : i32
        %parallel_loop3A_257 = arith.index_cast %parallel_loop3A_253 : i32 to index
        %parallel_loop3A_258 = arith.index_cast %parallel_loop3A_256 : i32 to index
        %parallel_loop3A_259 = tpu.vector_load %arg9[%parallel_loop3A_257, %parallel_loop3A_258] {strides = array<i32>} : memref<16x1024xf32, #tpu.memory_space<vmem>>, vector<1x16xf32>,
        %parallel_loop3A_260 = vector.shape_cast %parallel_loop3A_259 : vector<1x16xf32> to vector<16xf32>
        %parallel_loop3A_261 = arith.constant 3.200000e+01 : f32
        %parallel_loop3A_262 = vector.broadcast %parallel_loop3A_261 : f32 to vector<16xf32>
        %parallel_loop3A_263 = arith.mulf %parallel_loop3A_260, %parallel_loop3A_262 : vector<16xf32>
        %parallel_loop3A_264 = arith.index_cast %parallel_loop3A_253 : i32 to index
        %parallel_loop3A_265 = arith.index_cast %parallel_loop3A_256 : i32 to index
        %parallel_loop3A_266 = tpu.vector_load %arg12[%parallel_loop3A_264, %parallel_loop3A_265] {strides = array<i32>} : memref<16x1024xf32, #tpu.memory_space<vmem>>, vector<1x16xf32>,
        %parallel_loop3A_267 = vector.shape_cast %parallel_loop3A_266 : vector<1x16xf32> to vector<16xf32>
        %parallel_loop3A_268 = arith.addf %parallel_loop3A_263, %parallel_loop3A_267 : vector<16xf32>
        %parallel_loop3A_269 = arith.index_cast %parallel_loop3A_253 : i32 to index
        %parallel_loop3A_270 = arith.index_cast %parallel_loop3A_256 : i32 to index
        %parallel_loop3A_271 = tpu.vector_load %arg12[%parallel_loop3A_269, %parallel_loop3A_270] {strides = array<i32>} : memref<16x1024xf32, #tpu.memory_space<vmem>>, vector<1x16xf32>,
        %parallel_loop3A_272 = vector.shape_cast %parallel_loop3A_271 : vector<1x16xf32> to vector<16xf32>
        %parallel_loop3A_273 = vector.shape_cast %parallel_loop3A_268 : vector<16xf32> to vector<1x16xf32>
        tpu.vector_store %arg12[%parallel_loop3A_269, %parallel_loop3A_270], %parallel_loop3A_273 {strides = array<i32>} : memref<16x1024xf32, #tpu.memory_space<vmem>>, vector<1x16xf32>,
      } {sc.loop_unroll_factor = 4 : i64, sc.parallel_access}
      %mul3A_149 = arith.constant 16 : i32
      %mul3A_150 = arith.muli %add3A_131, %mul3A_149 : i32
      %add3A_151 = arith.addi %mul3A_2, %mul3A_150 : i32
      %multiple_of3A_152 = tpu.assume_multiple %add3A_151, 8 : i32
      %dma_start3A_153 = arith.constant 0 : i32
      %dma_start3A_154 = tpu.memref_slice %arg6[%multiple_of3A_152, %dma_start3A_153] : memref<8192x1024xf32, #tpu.memory_space<hbm>> -> memref<16x1024xf32, #tpu.memory_space<hbm>>
      %dma_start3A_155 = arith.constant 0 : i32
      %dma_start3A_156 = tpu.memref_slice %arg6[%multiple_of3A_152, %dma_start3A_155] : memref<8192x1024xf32, #tpu.memory_space<hbm>> -> memref<16x1024xf32, #tpu.memory_space<hbm>>
      tpu.enqueue_dma source(%arg12 : memref<16x1024xf32, #tpu.memory_space<vmem>>) target(%dma_start3A_156 : memref<16x1024xf32, #tpu.memory_space<hbm>>) target_semaphore(%arg21 : memref<!tpu.dma_semaphore, #tpu.memory_space<semaphore_mem>>)
      %add3A_157 = arith.constant 3 : i32
      %add3A_158 = arith.addi %add3A_131, %add3A_157 : i32
      %lt3A_159 = arith.constant 16 : i32
      %lt3A_160 = arith.cmpi slt, %add3A_158, %lt3A_159 : i32
      %convert_element_type3A = arith.extui %lt3A_160 : i1 to i32
      %cond3A = arith.constant 0 : i32
      %cond3A_161 = arith.cmpi ne, %convert_element_type3A, %cond3A : i32
      scf.if %cond3A_161 {
        %add3A_251 = arith.constant 3 : i32
        %add3A_252 = arith.addi %add3A_131, %add3A_251 : i32
        %mul3A_253 = arith.constant 16 : i32
        %mul3A_254 = arith.muli %add3A_252, %mul3A_253 : i32
        %multiple_of3A_255 = tpu.assume_multiple %mul3A_254, 8 : i32
        %dma_start3A_256 = tpu.memref_slice %arg7[%multiple_of3A_255] : memref<256xi32, #tpu.memory_space<vmem>> -> memref<16xi32, #tpu.memory_space<vmem>>
        %dma_start3A_257 = arith.constant 0 : i32
        %dma_start3A_258 = arith.constant 0 : i32
        %dma_start3A_259 = tpu.memref_slice %arg2[%dma_start3A_257, %dma_start3A_258] : memref<50400x1024xf32, #tpu.memory_space<hbm>> -> memref<50400x1024xf32, #tpu.memory_space<hbm>>
        tpu.enqueue_indirect_dma source(%dma_start3A_259 : memref<50400x1024xf32, #tpu.memory_space<hbm>>) target(%arg9 : memref<16x1024xf32, #tpu.memory_space<vmem>>) offsets(%dma_start3A_256 : memref<16xi32, #tpu.memory_space<vmem>>) semaphore(%arg15 : memref<!tpu.dma_semaphore, #tpu.memory_space<semaphore_mem>>)
      } else {
      }
      %add3A_162 = arith.constant 2 : i32
      %add3A_163 = arith.addi %add3A_131, %add3A_162 : i32
      %lt3A_164 = arith.constant 16 : i32
      %lt3A_165 = arith.cmpi slt, %add3A_163, %lt3A_164 : i32
      %convert_element_type3A_166 = arith.extui %lt3A_165 : i1 to i32
      %cond3A_167 = arith.constant 0 : i32
      %cond3A_168 = arith.cmpi ne, %convert_element_type3A_166, %cond3A_167 : i32
      scf.if %cond3A_168 {
        %ge3A = arith.constant 1 : i32
        %ge3A_251 = arith.cmpi sge, %add3A_131, %ge3A : i32
        %convert_element_type3A_252 = arith.extui %ge3A_251 : i1 to i32
        %cond3A_253 = arith.constant 0 : i32
        %cond3A_254 = arith.cmpi ne, %convert_element_type3A_252, %cond3A_253 : i32
        scf.if %cond3A_254 {
          %sub3A_264 = arith.constant 1 : i32
          %sub3A_265 = arith.subi %add3A_131, %sub3A_264 : i32
          %mul3A_266 = arith.constant 16 : i32
          %mul3A_267 = arith.muli %sub3A_265, %mul3A_266 : i32
          %add3A_268 = arith.addi %mul3A_2, %mul3A_267 : i32
          %multiple_of3A_269 = tpu.assume_multiple %add3A_268, 8 : i32
          %dma_wait3A_270 = arith.constant 0 : i32
          %dma_wait3A_271 = tpu.memref_slice %arg6[%multiple_of3A_269, %dma_wait3A_270] : memref<8192x1024xf32, #tpu.memory_space<hbm>> -> memref<16x1024xf32, #tpu.memory_space<hbm>>
          %dma_wait3A_272 = arith.constant 0 : i32
          %dma_wait3A_273 = tpu.memref_slice %arg6[%multiple_of3A_269, %dma_wait3A_272] : memref<8192x1024xf32, #tpu.memory_space<hbm>> -> memref<16x1024xf32, #tpu.memory_space<hbm>>
          tpu.wait_dma2 semaphore(%arg23 : memref<!tpu.dma_semaphore, #tpu.memory_space<semaphore_mem>>) src(%arg14 : memref<16x1024xf32, #tpu.memory_space<vmem>>) dst(%dma_wait3A_273 : memref<16x1024xf32, #tpu.memory_space<hbm>>)
        } else {
        }
        %add3A_255 = arith.constant 2 : i32
        %add3A_256 = arith.addi %add3A_131, %add3A_255 : i32
        %mul3A_257 = arith.constant 16 : i32
        %mul3A_258 = arith.muli %add3A_256, %mul3A_257 : i32
        %multiple_of3A_259 = tpu.assume_multiple %mul3A_258, 8 : i32
        %dma_start3A_260 = tpu.memref_slice %arg8[%multiple_of3A_259] : memref<256xi32, #tpu.memory_space<vmem>> -> memref<16xi32, #tpu.memory_space<vmem>>
        %dma_start3A_261 = arith.constant 0 : i32
        %dma_start3A_262 = arith.constant 0 : i32
        %dma_start3A_263 = tpu.memref_slice %arg3[%dma_start3A_261, %dma_start3A_262] : memref<2050x1024xf32, #tpu.memory_space<hbm>> -> memref<2050x1024xf32, #tpu.memory_space<hbm>>
        tpu.enqueue_indirect_dma source(%dma_start3A_263 : memref<2050x1024xf32, #tpu.memory_space<hbm>>) target(%arg14 : memref<16x1024xf32, #tpu.memory_space<vmem>>) offsets(%dma_start3A_260 : memref<16xi32, #tpu.memory_space<vmem>>) semaphore(%arg20 : memref<!tpu.dma_semaphore, #tpu.memory_space<semaphore_mem>>)
      } else {
      }
      %add3A_169 = arith.constant 1 : i32
      %add3A_170 = arith.addi %add3A_129, %add3A_169 : i32
      %mul3A_171 = arith.constant 16 : i32
      %mul3A_172 = arith.muli %add3A_170, %mul3A_171 : i32
      %multiple_of3A_173 = tpu.assume_multiple %mul3A_172, 8 : i32
      %dma_wait3A_174 = tpu.memref_slice %arg7[%multiple_of3A_173] : memref<256xi32, #tpu.memory_space<vmem>> -> memref<16xi32, #tpu.memory_space<vmem>>
      %dma_wait3A_175 = arith.constant 0 : i32
      %dma_wait3A_176 = arith.constant 0 : i32
      %dma_wait3A_177 = tpu.memref_slice %arg2[%dma_wait3A_175, %dma_wait3A_176] : memref<50400x1024xf32, #tpu.memory_space<hbm>> -> memref<50400x1024xf32, #tpu.memory_space<hbm>>
      tpu.wait_indirect_dma semaphore(%arg16 : memref<!tpu.dma_semaphore, #tpu.memory_space<semaphore_mem>>) src(%dma_wait3A_177 : memref<50400x1024xf32, #tpu.memory_space<hbm>>) dst(%arg10 : memref<16x1024xf32, #tpu.memory_space<vmem>>)
      %mul3A_178 = arith.constant 16 : i32
      %mul3A_179 = arith.muli %add3A_170, %mul3A_178 : i32
      %multiple_of3A_180 = tpu.assume_multiple %mul3A_179, 8 : i32
      %dma_wait3A_181 = tpu.memref_slice %arg8[%multiple_of3A_180] : memref<256xi32, #tpu.memory_space<vmem>> -> memref<16xi32, #tpu.memory_space<vmem>>
      %dma_wait3A_182 = arith.constant 0 : i32
      %dma_wait3A_183 = arith.constant 0 : i32
      %dma_wait3A_184 = tpu.memref_slice %arg3[%dma_wait3A_182, %dma_wait3A_183] : memref<2050x1024xf32, #tpu.memory_space<hbm>> -> memref<2050x1024xf32, #tpu.memory_space<hbm>>
      tpu.wait_indirect_dma semaphore(%arg19 : memref<!tpu.dma_semaphore, #tpu.memory_space<semaphore_mem>>) src(%dma_wait3A_184 : memref<2050x1024xf32, #tpu.memory_space<hbm>>) dst(%arg13 : memref<16x1024xf32, #tpu.memory_space<vmem>>)
      %parallel_loop3A_185 = arith.constant 0 : i32
      %parallel_loop3A_186 = arith.constant 16384 : i32
      %parallel_loop3A_187 = arith.constant 16 : i32
      scf.for %parallel_loop3A_251 = %parallel_loop3A_185 to %parallel_loop3A_186 step %parallel_loop3A_187  : i32 {
        %parallel_loop3A_252 = arith.constant 10 : i32
        %parallel_loop3A_253 = arith.shrui %parallel_loop3A_251, %parallel_loop3A_252 : i32
        %parallel_loop3A_254 = arith.constant 1023 : i32
        %parallel_loop3A_255 = arith.andi %parallel_loop3A_251, %parallel_loop3A_254 : i32
        %parallel_loop3A_256 = tpu.assume_multiple %parallel_loop3A_255, 16 : i32
        %parallel_loop3A_257 = arith.index_cast %parallel_loop3A_253 : i32 to index
        %parallel_loop3A_258 = arith.index_cast %parallel_loop3A_256 : i32 to index
        %parallel_loop3A_259 = tpu.vector_load %arg10[%parallel_loop3A_257, %parallel_loop3A_258] {strides = array<i32>} : memref<16x1024xf32, #tpu.memory_space<vmem>>, vector<1x16xf32>,
        %parallel_loop3A_260 = vector.shape_cast %parallel_loop3A_259 : vector<1x16xf32> to vector<16xf32>
        %parallel_loop3A_261 = arith.constant 3.200000e+01 : f32
        %parallel_loop3A_262 = vector.broadcast %parallel_loop3A_261 : f32 to vector<16xf32>
        %parallel_loop3A_263 = arith.mulf %parallel_loop3A_260, %parallel_loop3A_262 : vector<16xf32>
        %parallel_loop3A_264 = arith.index_cast %parallel_loop3A_253 : i32 to index
        %parallel_loop3A_265 = arith.index_cast %parallel_loop3A_256 : i32 to index
        %parallel_loop3A_266 = tpu.vector_load %arg13[%parallel_loop3A_264, %parallel_loop3A_265] {strides = array<i32>} : memref<16x1024xf32, #tpu.memory_space<vmem>>, vector<1x16xf32>,
        %parallel_loop3A_267 = vector.shape_cast %parallel_loop3A_266 : vector<1x16xf32> to vector<16xf32>
        %parallel_loop3A_268 = arith.addf %parallel_loop3A_263, %parallel_loop3A_267 : vector<16xf32>
        %parallel_loop3A_269 = arith.index_cast %parallel_loop3A_253 : i32 to index
        %parallel_loop3A_270 = arith.index_cast %parallel_loop3A_256 : i32 to index
        %parallel_loop3A_271 = tpu.vector_load %arg13[%parallel_loop3A_269, %parallel_loop3A_270] {strides = array<i32>} : memref<16x1024xf32, #tpu.memory_space<vmem>>, vector<1x16xf32>,
        %parallel_loop3A_272 = vector.shape_cast %parallel_loop3A_271 : vector<1x16xf32> to vector<16xf32>
        %parallel_loop3A_273 = vector.shape_cast %parallel_loop3A_268 : vector<16xf32> to vector<1x16xf32>
        tpu.vector_store %arg13[%parallel_loop3A_269, %parallel_loop3A_270], %parallel_loop3A_273 {strides = array<i32>} : memref<16x1024xf32, #tpu.memory_space<vmem>>, vector<1x16xf32>,
      } {sc.loop_unroll_factor = 4 : i64, sc.parallel_access}
      %mul3A_188 = arith.constant 16 : i32
      %mul3A_189 = arith.muli %add3A_170, %mul3A_188 : i32
      %add3A_190 = arith.addi %mul3A_2, %mul3A_189 : i32
      %multiple_of3A_191 = tpu.assume_multiple %add3A_190, 8 : i32
      %dma_start3A_192 = arith.constant 0 : i32
      %dma_start3A_193 = tpu.memref_slice %arg6[%multiple_of3A_191, %dma_start3A_192] : memref<8192x1024xf32, #tpu.memory_space<hbm>> -> memref<16x1024xf32, #tpu.memory_space<hbm>>
      %dma_start3A_194 = arith.constant 0 : i32
      %dma_start3A_195 = tpu.memref_slice %arg6[%multiple_of3A_191, %dma_start3A_194] : memref<8192x1024xf32, #tpu.memory_space<hbm>> -> memref<16x1024xf32, #tpu.memory_space<hbm>>
      tpu.enqueue_dma source(%arg13 : memref<16x1024xf32, #tpu.memory_space<vmem>>) target(%dma_start3A_195 : memref<16x1024xf32, #tpu.memory_space<hbm>>) target_semaphore(%arg22 : memref<!tpu.dma_semaphore, #tpu.memory_space<semaphore_mem>>)
      %add3A_196 = arith.constant 3 : i32
      %add3A_197 = arith.addi %add3A_170, %add3A_196 : i32
      %lt3A_198 = arith.constant 16 : i32
      %lt3A_199 = arith.cmpi slt, %add3A_197, %lt3A_198 : i32
      %convert_element_type3A_200 = arith.extui %lt3A_199 : i1 to i32
      %cond3A_201 = arith.constant 0 : i32
      %cond3A_202 = arith.cmpi ne, %convert_element_type3A_200, %cond3A_201 : i32
      scf.if %cond3A_202 {
        %add3A_251 = arith.constant 3 : i32
        %add3A_252 = arith.addi %add3A_170, %add3A_251 : i32
        %mul3A_253 = arith.constant 16 : i32
        %mul3A_254 = arith.muli %add3A_252, %mul3A_253 : i32
        %multiple_of3A_255 = tpu.assume_multiple %mul3A_254, 8 : i32
        %dma_start3A_256 = tpu.memref_slice %arg7[%multiple_of3A_255] : memref<256xi32, #tpu.memory_space<vmem>> -> memref<16xi32, #tpu.memory_space<vmem>>
        %dma_start3A_257 = arith.constant 0 : i32
        %dma_start3A_258 = arith.constant 0 : i32
        %dma_start3A_259 = tpu.memref_slice %arg2[%dma_start3A_257, %dma_start3A_258] : memref<50400x1024xf32, #tpu.memory_space<hbm>> -> memref<50400x1024xf32, #tpu.memory_space<hbm>>
        tpu.enqueue_indirect_dma source(%dma_start3A_259 : memref<50400x1024xf32, #tpu.memory_space<hbm>>) target(%arg10 : memref<16x1024xf32, #tpu.memory_space<vmem>>) offsets(%dma_start3A_256 : memref<16xi32, #tpu.memory_space<vmem>>) semaphore(%arg16 : memref<!tpu.dma_semaphore, #tpu.memory_space<semaphore_mem>>)
      } else {
      }
      %add3A_203 = arith.constant 2 : i32
      %add3A_204 = arith.addi %add3A_170, %add3A_203 : i32
      %lt3A_205 = arith.constant 16 : i32
      %lt3A_206 = arith.cmpi slt, %add3A_204, %lt3A_205 : i32
      %convert_element_type3A_207 = arith.extui %lt3A_206 : i1 to i32
      %cond3A_208 = arith.constant 0 : i32
      %cond3A_209 = arith.cmpi ne, %convert_element_type3A_207, %cond3A_208 : i32
      scf.if %cond3A_209 {
        %ge3A = arith.constant 1 : i32
        %ge3A_251 = arith.cmpi sge, %add3A_170, %ge3A : i32
        %convert_element_type3A_252 = arith.extui %ge3A_251 : i1 to i32
        %cond3A_253 = arith.constant 0 : i32
        %cond3A_254 = arith.cmpi ne, %convert_element_type3A_252, %cond3A_253 : i32
        scf.if %cond3A_254 {
          %sub3A_264 = arith.constant 1 : i32
          %sub3A_265 = arith.subi %add3A_170, %sub3A_264 : i32
          %mul3A_266 = arith.constant 16 : i32
          %mul3A_267 = arith.muli %sub3A_265, %mul3A_266 : i32
          %add3A_268 = arith.addi %mul3A_2, %mul3A_267 : i32
          %multiple_of3A_269 = tpu.assume_multiple %add3A_268, 8 : i32
          %dma_wait3A_270 = arith.constant 0 : i32
          %dma_wait3A_271 = tpu.memref_slice %arg6[%multiple_of3A_269, %dma_wait3A_270] : memref<8192x1024xf32, #tpu.memory_space<hbm>> -> memref<16x1024xf32, #tpu.memory_space<hbm>>
          %dma_wait3A_272 = arith.constant 0 : i32
          %dma_wait3A_273 = tpu.memref_slice %arg6[%multiple_of3A_269, %dma_wait3A_272] : memref<8192x1024xf32, #tpu.memory_space<hbm>> -> memref<16x1024xf32, #tpu.memory_space<hbm>>
          tpu.wait_dma2 semaphore(%arg21 : memref<!tpu.dma_semaphore, #tpu.memory_space<semaphore_mem>>) src(%arg12 : memref<16x1024xf32, #tpu.memory_space<vmem>>) dst(%dma_wait3A_273 : memref<16x1024xf32, #tpu.memory_space<hbm>>)
        } else {
        }
        %add3A_255 = arith.constant 2 : i32
        %add3A_256 = arith.addi %add3A_170, %add3A_255 : i32
        %mul3A_257 = arith.constant 16 : i32
        %mul3A_258 = arith.muli %add3A_256, %mul3A_257 : i32
        %multiple_of3A_259 = tpu.assume_multiple %mul3A_258, 8 : i32
        %dma_start3A_260 = tpu.memref_slice %arg8[%multiple_of3A_259] : memref<256xi32, #tpu.memory_space<vmem>> -> memref<16xi32, #tpu.memory_space<vmem>>
        %dma_start3A_261 = arith.constant 0 : i32
        %dma_start3A_262 = arith.constant 0 : i32
        %dma_start3A_263 = tpu.memref_slice %arg3[%dma_start3A_261, %dma_start3A_262] : memref<2050x1024xf32, #tpu.memory_space<hbm>> -> memref<2050x1024xf32, #tpu.memory_space<hbm>>
        tpu.enqueue_indirect_dma source(%dma_start3A_263 : memref<2050x1024xf32, #tpu.memory_space<hbm>>) target(%arg12 : memref<16x1024xf32, #tpu.memory_space<vmem>>) offsets(%dma_start3A_260 : memref<16xi32, #tpu.memory_space<vmem>>) semaphore(%arg18 : memref<!tpu.dma_semaphore, #tpu.memory_space<semaphore_mem>>)
      } else {
      }
      %add3A_210 = arith.constant 2 : i32
      %add3A_211 = arith.addi %add3A_129, %add3A_210 : i32
      %mul3A_212 = arith.constant 16 : i32
      %mul3A_213 = arith.muli %add3A_211, %mul3A_212 : i32
      %multiple_of3A_214 = tpu.assume_multiple %mul3A_213, 8 : i32
      %dma_wait3A_215 = tpu.memref_slice %arg7[%multiple_of3A_214] : memref<256xi32, #tpu.memory_space<vmem>> -> memref<16xi32, #tpu.memory_space<vmem>>
      %dma_wait3A_216 = arith.constant 0 : i32
      %dma_wait3A_217 = arith.constant 0 : i32
      %dma_wait3A_218 = tpu.memref_slice %arg2[%dma_wait3A_216, %dma_wait3A_217] : memref<50400x1024xf32, #tpu.memory_space<hbm>> -> memref<50400x1024xf32, #tpu.memory_space<hbm>>
      tpu.wait_indirect_dma semaphore(%arg17 : memref<!tpu.dma_semaphore, #tpu.memory_space<semaphore_mem>>) src(%dma_wait3A_218 : memref<50400x1024xf32, #tpu.memory_space<hbm>>) dst(%arg11 : memref<16x1024xf32, #tpu.memory_space<vmem>>)
      %mul3A_219 = arith.constant 16 : i32
      %mul3A_220 = arith.muli %add3A_211, %mul3A_219 : i32
      %multiple_of3A_221 = tpu.assume_multiple %mul3A_220, 8 : i32
      %dma_wait3A_222 = tpu.memref_slice %arg8[%multiple_of3A_221] : memref<256xi32, #tpu.memory_space<vmem>> -> memref<16xi32, #tpu.memory_space<vmem>>
      %dma_wait3A_223 = arith.constant 0 : i32
      %dma_wait3A_224 = arith.constant 0 : i32
      %dma_wait3A_225 = tpu.memref_slice %arg3[%dma_wait3A_223, %dma_wait3A_224] : memref<2050x1024xf32, #tpu.memory_space<hbm>> -> memref<2050x1024xf32, #tpu.memory_space<hbm>>
      tpu.wait_indirect_dma semaphore(%arg20 : memref<!tpu.dma_semaphore, #tpu.memory_space<semaphore_mem>>) src(%dma_wait3A_225 : memref<2050x1024xf32, #tpu.memory_space<hbm>>) dst(%arg14 : memref<16x1024xf32, #tpu.memory_space<vmem>>)
      %parallel_loop3A_226 = arith.constant 0 : i32
      %parallel_loop3A_227 = arith.constant 16384 : i32
      %parallel_loop3A_228 = arith.constant 16 : i32
      scf.for %parallel_loop3A_251 = %parallel_loop3A_226 to %parallel_loop3A_227 step %parallel_loop3A_228  : i32 {
        %parallel_loop3A_252 = arith.constant 10 : i32
        %parallel_loop3A_253 = arith.shrui %parallel_loop3A_251, %parallel_loop3A_252 : i32
        %parallel_loop3A_254 = arith.constant 1023 : i32
        %parallel_loop3A_255 = arith.andi %parallel_loop3A_251, %parallel_loop3A_254 : i32
        %parallel_loop3A_256 = tpu.assume_multiple %parallel_loop3A_255, 16 : i32
        %parallel_loop3A_257 = arith.index_cast %parallel_loop3A_253 : i32 to index
        %parallel_loop3A_258 = arith.index_cast %parallel_loop3A_256 : i32 to index
        %parallel_loop3A_259 = tpu.vector_load %arg11[%parallel_loop3A_257, %parallel_loop3A_258] {strides = array<i32>} : memref<16x1024xf32, #tpu.memory_space<vmem>>, vector<1x16xf32>,
        %parallel_loop3A_260 = vector.shape_cast %parallel_loop3A_259 : vector<1x16xf32> to vector<16xf32>
        %parallel_loop3A_261 = arith.constant 3.200000e+01 : f32
        %parallel_loop3A_262 = vector.broadcast %parallel_loop3A_261 : f32 to vector<16xf32>
        %parallel_loop3A_263 = arith.mulf %parallel_loop3A_260, %parallel_loop3A_262 : vector<16xf32>
        %parallel_loop3A_264 = arith.index_cast %parallel_loop3A_253 : i32 to index
        %parallel_loop3A_265 = arith.index_cast %parallel_loop3A_256 : i32 to index
        %parallel_loop3A_266 = tpu.vector_load %arg14[%parallel_loop3A_264, %parallel_loop3A_265] {strides = array<i32>} : memref<16x1024xf32, #tpu.memory_space<vmem>>, vector<1x16xf32>,
        %parallel_loop3A_267 = vector.shape_cast %parallel_loop3A_266 : vector<1x16xf32> to vector<16xf32>
        %parallel_loop3A_268 = arith.addf %parallel_loop3A_263, %parallel_loop3A_267 : vector<16xf32>
        %parallel_loop3A_269 = arith.index_cast %parallel_loop3A_253 : i32 to index
        %parallel_loop3A_270 = arith.index_cast %parallel_loop3A_256 : i32 to index
        %parallel_loop3A_271 = tpu.vector_load %arg14[%parallel_loop3A_269, %parallel_loop3A_270] {strides = array<i32>} : memref<16x1024xf32, #tpu.memory_space<vmem>>, vector<1x16xf32>,
        %parallel_loop3A_272 = vector.shape_cast %parallel_loop3A_271 : vector<1x16xf32> to vector<16xf32>
        %parallel_loop3A_273 = vector.shape_cast %parallel_loop3A_268 : vector<16xf32> to vector<1x16xf32>
        tpu.vector_store %arg14[%parallel_loop3A_269, %parallel_loop3A_270], %parallel_loop3A_273 {strides = array<i32>} : memref<16x1024xf32, #tpu.memory_space<vmem>>, vector<1x16xf32>,
      } {sc.loop_unroll_factor = 4 : i64, sc.parallel_access}
      %mul3A_229 = arith.constant 16 : i32
      %mul3A_230 = arith.muli %add3A_211, %mul3A_229 : i32
      %add3A_231 = arith.addi %mul3A_2, %mul3A_230 : i32
      %multiple_of3A_232 = tpu.assume_multiple %add3A_231, 8 : i32
      %dma_start3A_233 = arith.constant 0 : i32
      %dma_start3A_234 = tpu.memref_slice %arg6[%multiple_of3A_232, %dma_start3A_233] : memref<8192x1024xf32, #tpu.memory_space<hbm>> -> memref<16x1024xf32, #tpu.memory_space<hbm>>
      %dma_start3A_235 = arith.constant 0 : i32
      %dma_start3A_236 = tpu.memref_slice %arg6[%multiple_of3A_232, %dma_start3A_235] : memref<8192x1024xf32, #tpu.memory_space<hbm>> -> memref<16x1024xf32, #tpu.memory_space<hbm>>
      tpu.enqueue_dma source(%arg14 : memref<16x1024xf32, #tpu.memory_space<vmem>>) target(%dma_start3A_236 : memref<16x1024xf32, #tpu.memory_space<hbm>>) target_semaphore(%arg23 : memref<!tpu.dma_semaphore, #tpu.memory_space<semaphore_mem>>)
      %add3A_237 = arith.constant 3 : i32
      %add3A_238 = arith.addi %add3A_211, %add3A_237 : i32
      %lt3A_239 = arith.constant 16 : i32
      %lt3A_240 = arith.cmpi slt, %add3A_238, %lt3A_239 : i32
      %convert_element_type3A_241 = arith.extui %lt3A_240 : i1 to i32
      %cond3A_242 = arith.constant 0 : i32
      %cond3A_243 = arith.cmpi ne, %convert_element_type3A_241, %cond3A_242 : i32
      scf.if %cond3A_243 {
        %add3A_251 = arith.constant 3 : i32
        %add3A_252 = arith.addi %add3A_211, %add3A_251 : i32
        %mul3A_253 = arith.constant 16 : i32
        %mul3A_254 = arith.muli %add3A_252, %mul3A_253 : i32
        %multiple_of3A_255 = tpu.assume_multiple %mul3A_254, 8 : i32
        %dma_start3A_256 = tpu.memref_slice %arg7[%multiple_of3A_255] : memref<256xi32, #tpu.memory_space<vmem>> -> memref<16xi32, #tpu.memory_space<vmem>>
        %dma_start3A_257 = arith.constant 0 : i32
        %dma_start3A_258 = arith.constant 0 : i32
        %dma_start3A_259 = tpu.memref_slice %arg2[%dma_start3A_257, %dma_start3A_258] : memref<50400x1024xf32, #tpu.memory_space<hbm>> -> memref<50400x1024xf32, #tpu.memory_space<hbm>>
        tpu.enqueue_indirect_dma source(%dma_start3A_259 : memref<50400x1024xf32, #tpu.memory_space<hbm>>) target(%arg11 : memref<16x1024xf32, #tpu.memory_space<vmem>>) offsets(%dma_start3A_256 : memref<16xi32, #tpu.memory_space<vmem>>) semaphore(%arg17 : memref<!tpu.dma_semaphore, #tpu.memory_space<semaphore_mem>>)
      } else {
      }
      %add3A_244 = arith.constant 2 : i32
      %add3A_245 = arith.addi %add3A_211, %add3A_244 : i32
      %lt3A_246 = arith.constant 16 : i32
      %lt3A_247 = arith.cmpi slt, %add3A_245, %lt3A_246 : i32
      %convert_element_type3A_248 = arith.extui %lt3A_247 : i1 to i32
      %cond3A_249 = arith.constant 0 : i32
      %cond3A_250 = arith.cmpi ne, %convert_element_type3A_248, %cond3A_249 : i32
      scf.if %cond3A_250 {
        %ge3A = arith.constant 1 : i32
        %ge3A_251 = arith.cmpi sge, %add3A_211, %ge3A : i32
        %convert_element_type3A_252 = arith.extui %ge3A_251 : i1 to i32
        %cond3A_253 = arith.constant 0 : i32
        %cond3A_254 = arith.cmpi ne, %convert_element_type3A_252, %cond3A_253 : i32
        scf.if %cond3A_254 {
          %sub3A_264 = arith.constant 1 : i32
          %sub3A_265 = arith.subi %add3A_211, %sub3A_264 : i32
          %mul3A_266 = arith.constant 16 : i32
          %mul3A_267 = arith.muli %sub3A_265, %mul3A_266 : i32
          %add3A_268 = arith.addi %mul3A_2, %mul3A_267 : i32
          %multiple_of3A_269 = tpu.assume_multiple %add3A_268, 8 : i32
          %dma_wait3A_270 = arith.constant 0 : i32
          %dma_wait3A_271 = tpu.memref_slice %arg6[%multiple_of3A_269, %dma_wait3A_270] : memref<8192x1024xf32, #tpu.memory_space<hbm>> -> memref<16x1024xf32, #tpu.memory_space<hbm>>
          %dma_wait3A_272 = arith.constant 0 : i32
          %dma_wait3A_273 = tpu.memref_slice %arg6[%multiple_of3A_269, %dma_wait3A_272] : memref<8192x1024xf32, #tpu.memory_space<hbm>> -> memref<16x1024xf32, #tpu.memory_space<hbm>>
          tpu.wait_dma2 semaphore(%arg22 : memref<!tpu.dma_semaphore, #tpu.memory_space<semaphore_mem>>) src(%arg13 : memref<16x1024xf32, #tpu.memory_space<vmem>>) dst(%dma_wait3A_273 : memref<16x1024xf32, #tpu.memory_space<hbm>>)
        } else {
        }
        %add3A_255 = arith.constant 2 : i32
        %add3A_256 = arith.addi %add3A_211, %add3A_255 : i32
        %mul3A_257 = arith.constant 16 : i32
        %mul3A_258 = arith.muli %add3A_256, %mul3A_257 : i32
        %multiple_of3A_259 = tpu.assume_multiple %mul3A_258, 8 : i32
        %dma_start3A_260 = tpu.memref_slice %arg8[%multiple_of3A_259] : memref<256xi32, #tpu.memory_space<vmem>> -> memref<16xi32, #tpu.memory_space<vmem>>
        %dma_start3A_261 = arith.constant 0 : i32
        %dma_start3A_262 = arith.constant 0 : i32
        %dma_start3A_263 = tpu.memref_slice %arg3[%dma_start3A_261, %dma_start3A_262] : memref<2050x1024xf32, #tpu.memory_space<hbm>> -> memref<2050x1024xf32, #tpu.memory_space<hbm>>
        tpu.enqueue_indirect_dma source(%dma_start3A_263 : memref<2050x1024xf32, #tpu.memory_space<hbm>>) target(%arg13 : memref<16x1024xf32, #tpu.memory_space<vmem>>) offsets(%dma_start3A_260 : memref<16xi32, #tpu.memory_space<vmem>>) semaphore(%arg19 : memref<!tpu.dma_semaphore, #tpu.memory_space<semaphore_mem>>)
      } else {
      }
    }
    %scan3A_82 = arith.constant 5 : i32
    %multiple_of3A_83 = arith.constant 240 : i32
    %multiple_of3A_84 = tpu.assume_multiple %multiple_of3A_83, 8 : i32
    %dma_wait3A_85 = tpu.memref_slice %arg7[%multiple_of3A_84] : memref<256xi32, #tpu.memory_space<vmem>> -> memref<16xi32, #tpu.memory_space<vmem>>
    %dma_wait3A_86 = arith.constant 0 : i32
    %dma_wait3A_87 = arith.constant 0 : i32
    %dma_wait3A_88 = tpu.memref_slice %arg2[%dma_wait3A_86, %dma_wait3A_87] : memref<50400x1024xf32, #tpu.memory_space<hbm>> -> memref<50400x1024xf32, #tpu.memory_space<hbm>>
    tpu.wait_indirect_dma semaphore(%arg15 : memref<!tpu.dma_semaphore, #tpu.memory_space<semaphore_mem>>) src(%dma_wait3A_88 : memref<50400x1024xf32, #tpu.memory_space<hbm>>) dst(%arg9 : memref<16x1024xf32, #tpu.memory_space<vmem>>)
    %multiple_of3A_89 = arith.constant 240 : i32
    %multiple_of3A_90 = tpu.assume_multiple %multiple_of3A_89, 8 : i32
    %dma_wait3A_91 = tpu.memref_slice %arg8[%multiple_of3A_90] : memref<256xi32, #tpu.memory_space<vmem>> -> memref<16xi32, #tpu.memory_space<vmem>>
    %dma_wait3A_92 = arith.constant 0 : i32
    %dma_wait3A_93 = arith.constant 0 : i32
    %dma_wait3A_94 = tpu.memref_slice %arg3[%dma_wait3A_92, %dma_wait3A_93] : memref<2050x1024xf32, #tpu.memory_space<hbm>> -> memref<2050x1024xf32, #tpu.memory_space<hbm>>
    tpu.wait_indirect_dma semaphore(%arg18 : memref<!tpu.dma_semaphore, #tpu.memory_space<semaphore_mem>>) src(%dma_wait3A_94 : memref<2050x1024xf32, #tpu.memory_space<hbm>>) dst(%arg12 : memref<16x1024xf32, #tpu.memory_space<vmem>>)
    %parallel_loop3A = arith.constant 0 : i32
    %parallel_loop3A_95 = arith.constant 16384 : i32
    %parallel_loop3A_96 = arith.constant 16 : i32
    scf.for %parallel_loop3A_125 = %parallel_loop3A to %parallel_loop3A_95 step %parallel_loop3A_96  : i32 {
      %parallel_loop3A_126 = arith.constant 10 : i32
      %parallel_loop3A_127 = arith.shrui %parallel_loop3A_125, %parallel_loop3A_126 : i32
      %parallel_loop3A_128 = arith.constant 1023 : i32
      %parallel_loop3A_129 = arith.andi %parallel_loop3A_125, %parallel_loop3A_128 : i32
      %parallel_loop3A_130 = tpu.assume_multiple %parallel_loop3A_129, 16 : i32
      %parallel_loop3A_131 = arith.index_cast %parallel_loop3A_127 : i32 to index
      %parallel_loop3A_132 = arith.index_cast %parallel_loop3A_130 : i32 to index
      %parallel_loop3A_133 = tpu.vector_load %arg9[%parallel_loop3A_131, %parallel_loop3A_132] {strides = array<i32>} : memref<16x1024xf32, #tpu.memory_space<vmem>>, vector<1x16xf32>,
      %parallel_loop3A_134 = vector.shape_cast %parallel_loop3A_133 : vector<1x16xf32> to vector<16xf32>
      %parallel_loop3A_135 = arith.constant 3.200000e+01 : f32
      %parallel_loop3A_136 = vector.broadcast %parallel_loop3A_135 : f32 to vector<16xf32>
      %parallel_loop3A_137 = arith.mulf %parallel_loop3A_134, %parallel_loop3A_136 : vector<16xf32>
      %parallel_loop3A_138 = arith.index_cast %parallel_loop3A_127 : i32 to index
      %parallel_loop3A_139 = arith.index_cast %parallel_loop3A_130 : i32 to index
      %parallel_loop3A_140 = tpu.vector_load %arg12[%parallel_loop3A_138, %parallel_loop3A_139] {strides = array<i32>} : memref<16x1024xf32, #tpu.memory_space<vmem>>, vector<1x16xf32>,
      %parallel_loop3A_141 = vector.shape_cast %parallel_loop3A_140 : vector<1x16xf32> to vector<16xf32>
      %parallel_loop3A_142 = arith.addf %parallel_loop3A_137, %parallel_loop3A_141 : vector<16xf32>
      %parallel_loop3A_143 = arith.index_cast %parallel_loop3A_127 : i32 to index
      %parallel_loop3A_144 = arith.index_cast %parallel_loop3A_130 : i32 to index
      %parallel_loop3A_145 = tpu.vector_load %arg12[%parallel_loop3A_143, %parallel_loop3A_144] {strides = array<i32>} : memref<16x1024xf32, #tpu.memory_space<vmem>>, vector<1x16xf32>,
      %parallel_loop3A_146 = vector.shape_cast %parallel_loop3A_145 : vector<1x16xf32> to vector<16xf32>
      %parallel_loop3A_147 = vector.shape_cast %parallel_loop3A_142 : vector<16xf32> to vector<1x16xf32>
      tpu.vector_store %arg12[%parallel_loop3A_143, %parallel_loop3A_144], %parallel_loop3A_147 {strides = array<i32>} : memref<16x1024xf32, #tpu.memory_space<vmem>>, vector<1x16xf32>,
    } {sc.loop_unroll_factor = 4 : i64, sc.parallel_access}
    %add3A_97 = arith.constant 240 : i32
    %add3A_98 = arith.addi %mul3A_2, %add3A_97 : i32
    %multiple_of3A_99 = tpu.assume_multiple %add3A_98, 8 : i32
    %dma_start3A_100 = arith.constant 0 : i32
    %dma_start3A_101 = tpu.memref_slice %arg6[%multiple_of3A_99, %dma_start3A_100] : memref<8192x1024xf32, #tpu.memory_space<hbm>> -> memref<16x1024xf32, #tpu.memory_space<hbm>>
    %dma_start3A_102 = arith.constant 0 : i32
    %dma_start3A_103 = tpu.memref_slice %arg6[%multiple_of3A_99, %dma_start3A_102] : memref<8192x1024xf32, #tpu.memory_space<hbm>> -> memref<16x1024xf32, #tpu.memory_space<hbm>>
    tpu.enqueue_dma source(%arg12 : memref<16x1024xf32, #tpu.memory_space<vmem>>) target(%dma_start3A_103 : memref<16x1024xf32, #tpu.memory_space<hbm>>) target_semaphore(%arg21 : memref<!tpu.dma_semaphore, #tpu.memory_space<semaphore_mem>>)
    %add3A_104 = arith.constant 208 : i32
    %add3A_105 = arith.addi %mul3A_2, %add3A_104 : i32
    %multiple_of3A_106 = tpu.assume_multiple %add3A_105, 8 : i32
    %dma_wait3A_107 = arith.constant 0 : i32
    %dma_wait3A_108 = tpu.memref_slice %arg6[%multiple_of3A_106, %dma_wait3A_107] : memref<8192x1024xf32, #tpu.memory_space<hbm>> -> memref<16x1024xf32, #tpu.memory_space<hbm>>
    %dma_wait3A_109 = arith.constant 0 : i32
    %dma_wait3A_110 = tpu.memref_slice %arg6[%multiple_of3A_106, %dma_wait3A_109] : memref<8192x1024xf32, #tpu.memory_space<hbm>> -> memref<16x1024xf32, #tpu.memory_space<hbm>>
    tpu.wait_dma2 semaphore(%arg22 : memref<!tpu.dma_semaphore, #tpu.memory_space<semaphore_mem>>) src(%arg13 : memref<16x1024xf32, #tpu.memory_space<vmem>>) dst(%dma_wait3A_110 : memref<16x1024xf32, #tpu.memory_space<hbm>>)
    %add3A_111 = arith.constant 224 : i32
    %add3A_112 = arith.addi %mul3A_2, %add3A_111 : i32
    %multiple_of3A_113 = tpu.assume_multiple %add3A_112, 8 : i32
    %dma_wait3A_114 = arith.constant 0 : i32
    %dma_wait3A_115 = tpu.memref_slice %arg6[%multiple_of3A_113, %dma_wait3A_114] : memref<8192x1024xf32, #tpu.memory_space<hbm>> -> memref<16x1024xf32, #tpu.memory_space<hbm>>
    %dma_wait3A_116 = arith.constant 0 : i32
    %dma_wait3A_117 = tpu.memref_slice %arg6[%multiple_of3A_113, %dma_wait3A_116] : memref<8192x1024xf32, #tpu.memory_space<hbm>> -> memref<16x1024xf32, #tpu.memory_space<hbm>>
    tpu.wait_dma2 semaphore(%arg23 : memref<!tpu.dma_semaphore, #tpu.memory_space<semaphore_mem>>) src(%arg14 : memref<16x1024xf32, #tpu.memory_space<vmem>>) dst(%dma_wait3A_117 : memref<16x1024xf32, #tpu.memory_space<hbm>>)
    %add3A_118 = arith.constant 240 : i32
    %add3A_119 = arith.addi %mul3A_2, %add3A_118 : i32
    %multiple_of3A_120 = tpu.assume_multiple %add3A_119, 8 : i32
    %dma_wait3A_121 = arith.constant 0 : i32
    %dma_wait3A_122 = tpu.memref_slice %arg6[%multiple_of3A_120, %dma_wait3A_121] : memref<8192x1024xf32, #tpu.memory_space<hbm>> -> memref<16x1024xf32, #tpu.memory_space<hbm>>
    %dma_wait3A_123 = arith.constant 0 : i32
    %dma_wait3A_124 = tpu.memref_slice %arg6[%multiple_of3A_120, %dma_wait3A_123] : memref<8192x1024xf32, #tpu.memory_space<hbm>> -> memref<16x1024xf32, #tpu.memory_space<hbm>>
    tpu.wait_dma2 semaphore(%arg21 : memref<!tpu.dma_semaphore, #tpu.memory_space<semaphore_mem>>) src(%arg12 : memref<16x1024xf32, #tpu.memory_space<vmem>>) dst(%dma_wait3A_124 : memref<16x1024xf32, #tpu.memory_space<hbm>>)
    return
  }
}

</mosaic_0001>

<sc_bundles>
// kernel: kernel.3.cloned.1.call-start
scs
__scs_entry_jumppad:
0x0: {  	(pc) =	sbr.rel $0x88, $3  }
0x1: {  	(tag) =	ssettag $0x0;
	lr =	simm.s32 $0x1  }
0x2: {  	[smem:$0x3F9D] =	sst lr;
	_ =	strace $0xD0000000  }
0x3: {  	_ = 	snop  }
0x4: {  	_ = 	snop  }
0x5: {  	_ = 	snop  }
0x6: {  	_ = 	snop  }
0x7: {  	_ = 	snop  }
__scs_overlays_trampoline_lowered:
0x8: {  	[smem:$0x3FAC] =	sst s0  }
0x9: {  	[smem:$0x3FAD] =	sst s1  }
0xa: {  	[smem:$0x3FAE] =	sst s2  }
0xb: {  	[smem:$0x3FAF] =	sst s3  }
0xc: {  	[smem:$0x3FB0] =	sst s4  }
0xd: {  	[smem:$0x3FB1] =	sst s5  }
0xe: {  	[smem:$0x3FB2] =	sst s6  }
0xf: {  	[smem:$0x3FB3] =	sst s7  }
0x10: {  	[smem:$0x3FB4] =	sst s8  }
0x11: {  	[smem:$0x3FB5] =	sst s9;
	s0 =	simm.s32 @!p0 $0x0  }
0x12: {  	s1 =	sld [smem:$0x3F9B];
	s0 =	simm.s32 @p0 $0x1  }
0x13: {  	[smem:$0x3FB6] =	sst s0;
	s0 =	simm.s32 @!p1 $0x0  }
0x14: {  	s2 =	sld [smem:$0x3F9A];
	s0 =	simm.s32 @p1 $0x1  }
0x15: {  	[smem:$0x3FB7] =	sst s0;
	s0 =	simm.s32 @!p2 $0x0  }
0x16: {  	s3 =	sld [smem:$0x3FDB];
	s0 =	simm.s32 @p2 $0x1  }
0x17: {  	s4 =	simm.s32 $0x1BF5;
	[smem:$0x3FB9] =	sst s0  }
0x18: {  	s0 =	sld [smem:$0x3F9C];
	_ =	swait.ge [sflag:s4], $0x0  }
0x19: {  	s7 =	sld [smem:$0x3F9D]  }
0x1a: {  	s8 =	sadd.s32 $0xFFFFE003, lr  }
0x1b: {  	s9 =	sadd.s32 $0xFFFFFEF7, lr;
	s5 =	simm.s32 $0xFFFFFFFF;
	p2 =	slt.u32 s8, $0xFFFFF086  }
0x1c: {  	p1 =	slt.u32 s9, $0xF7A;
	s5 =	simm.s32 @!p2 $0x0  }
0x1d: {  	s5 =	simm.s32 @p1 $0x1;
	p0 =	seq.s32 s7, s2  }
0x1e: {  	s7 =	smul.u32 @!p0 $0xF7A, s2;
	p2 =	seq.s32 @!p0 s5, $0x0  }
0x1f: {  	s9 =	smul.u32 $0xF7A, s1;
	s8 =	simm.s32 @!p0 $0x1BF5;
	p2 =	por !p2, p0  }
0x20: {  	[sflag:s8] =	ssyncset.s32 @!p0 $0xFFFFF086;
	s6 =	sadd.s32 @!p0 s3, s7;
	s7 =	simm.s32 @!p0 $0x108  }
0x21: {  	s3 =	sadd.s32 s3, s9;
	s6 =	sadd.s32 @!p0 $0x88, s6;
	s7 =	simm.s32 @p2 $0x1082  }
0x22: {  	[simem:s7], [sflag:s8] =	dma.local @!p0 [hbm:s6], $0xF7A  }
0x23: {  	s9 =	sor.u32 $0xD0000000, s2;
	s6 =	simm.s32 $0x108;
	_ =	swait.ge @!p0 [sflag:s8], $0x0  }
0x24: {  	s3 =	sadd.s32 $0x88, s3;
	s6 =	simm.s32 @!p1 $0x1082;
	[sflag:s4] =	ssyncset.s32 $0xFFFFF086  }
0x25: {  	[simem:s6], [sflag:s4] =	dma.local [hbm:s3], $0xF7A  }
0x26: {  	[smem:$0x3F9D] =	sst s1;
	(tag) =	ssettag s2;
	_ =	strace s9  }
0x27: {  	s1 =	sld [smem:$0x3FAD]  }
0x28: {  	s2 =	sld [smem:$0x3FAE]  }
0x29: {  	s4 =	sld [smem:$0x3FB0]  }
0x2a: {  	p0 =	seq.s32 s5, $0x0;
	s5 =	sld [smem:$0x3FB1]  }
0x2b: {  	s6 =	sld [smem:$0x3FB2]  }
0x2c: {  	s7 =	sld [smem:$0x3FB3]  }
0x2d: {  	s3 =	simm.s32 $0x108;
	s8 =	sld [smem:$0x3FB4]  }
0x2e: {  	s3 =	simm.s32 @!p0 $0x1082;
	s9 =	sld [smem:$0x3FB5]  }
0x2f: {  	lr =	sadd.s32 s0, s3;
	s0 =	sld [smem:$0x3FAC]  }
0x30: {  	s3 =	sld [smem:$0x3FAF]  }
0x31: {  	[smem:$0x3FB8] =	sst s10  }
0x32: {  	s10 =	sld [smem:$0x3FB6];
	_ =	sdelay $0x3  }
0x33: {  	p0 =	seq.s32 s10, $0x1;
	s10 =	sld [smem:$0x3FB8];
	_ =	sdelay $0x3  }
0x34: {  	[smem:$0x3FB8] =	sst s10  }
0x35: {  	s10 =	sld [smem:$0x3FB7];
	_ =	sdelay $0x3  }
0x36: {  	p1 =	seq.s32 s10, $0x1;
	s10 =	sld [smem:$0x3FB8];
	_ =	sdelay $0x3  }
0x37: {  	[smem:$0x3FB8] =	sst s10  }
0x38: {  	s10 =	sld [smem:$0x3FB9]  }
0x39: {  	_ = 	snop;
	(pc) =	sbr.ind lr, $3  }
0x3a: {  	_ = 	snop  }
0x3b: {  	_ = 	snop  }
0x3c: {  	p2 =	seq.s32 s10, $0x1;
	s10 =	sld [smem:$0x3FB8]  }
0x3d: {  	_ =	shalt  }
0x3e: {  	_ =	shalt  }
0x3f: {  	_ =	shalt  }
0x40: {  	_ =	shalt  }
0x41: {  	_ =	shalt  }
0x42: {  	_ =	shalt  }
0x43: {  	_ =	shalt  }
0x44: {  	_ =	shalt  }
0x45: {  	_ =	shalt  }
0x46: {  	_ =	shalt  }
0x47: {  	_ =	shalt  }
0x48: {  	_ =	shalt  }
0x49: {  	_ =	shalt  }
0x4a: {  	_ =	shalt  }
0x4b: {  	_ =	shalt  }
0x4c: {  	_ =	shalt  }
0x4d: {  	_ =	shalt  }
0x4e: {  	_ =	shalt  }
0x4f: {  	_ =	shalt  }
0x50: {  	_ =	shalt  }
0x51: {  	_ =	shalt  }
0x52: {  	_ =	shalt  }
0x53: {  	_ =	shalt  }
0x54: {  	_ =	shalt  }
0x55: {  	_ =	shalt  }
0x56: {  	_ =	shalt  }
0x57: {  	_ =	shalt  }
0x58: {  	_ =	shalt  }
0x59: {  	_ =	shalt  }
0x5a: {  	_ =	shalt  }
0x5b: {  	_ =	shalt  }
0x5c: {  	_ =	shalt  }
0x5d: {  	_ =	shalt  }
0x5e: {  	_ =	shalt  }
0x5f: {  	_ =	shalt  }
0x60: {  	_ =	shalt  }
0x61: {  	_ =	shalt  }
0x62: {  	_ =	shalt  }
0x63: {  	_ =	shalt  }
0x64: {  	_ =	shalt  }
0x65: {  	_ =	shalt  }
0x66: {  	_ =	shalt  }
0x67: {  	_ =	shalt  }
0x68: {  	_ =	shalt  }
0x69: {  	_ =	shalt  }
0x6a: {  	_ =	shalt  }
0x6b: {  	_ =	shalt  }
0x6c: {  	_ =	shalt  }
0x6d: {  	_ =	shalt  }
0x6e: {  	_ =	shalt  }
0x6f: {  	_ =	shalt  }
0x70: {  	_ =	shalt  }
0x71: {  	_ =	shalt  }
0x72: {  	_ =	shalt  }
0x73: {  	_ =	shalt  }
0x74: {  	_ =	shalt  }
0x75: {  	_ =	shalt  }
0x76: {  	_ =	shalt  }
0x77: {  	_ =	shalt  }
0x78: {  	_ =	shalt  }
0x79: {  	_ =	shalt  }
0x7a: {  	_ =	shalt  }
0x7b: {  	_ =	shalt  }
0x7c: {  	_ =	shalt  }
0x7d: {  	_ =	shalt  }
0x7e: {  	_ =	shalt  }
0x7f: {  	_ =	shalt  }
0x80: {  	_ =	shalt  }
0x81: {  	_ =	shalt  }
0x82: {  	_ =	shalt  }
0x83: {  	_ =	shalt  }
0x84: {  	_ =	shalt  }
0x85: {  	_ =	shalt  }
0x86: {  	_ =	shalt  }
0x87: {  	_ =	shalt  }
.Lfunc_end0:
.L_simem_size_0:
called_computation_lowered:
.L_overlay_start_0:
0x88: {  	s2 =	sld [smem:$0x3FD9]  }
0x89: {  	s3 =	sld [smem:$0x3FFE];
	_ =	sdelay $0x1  }
0x8a: {  	s1 =	srdreg.scid  }
0x8b: {  	s0 =	sand.u32 $0x1, s1  }
0x8c: {  	s18 =	sshll.u32 s0, $0xA;
	s2 =	sadd.s32 s3, s2  }
0x8d: {  	s2 =	sadd.s32 s2, s18  }
0x8e: {  	[smem:$0x3FC4] =	sst s2  }
0x8f: {  	_ = 	snop  }
0x90: {  	s2 =	sld [smem:$0x3FC9]  }
0x91: {  	s19 =	sld [smem:$0x3FC8]  }
0x92: {  	s4 =	sld [smem:$0x3FC7]  }
0x93: {  	s5 =	sld [smem:$0x3FC6]  }
0x94: {  	s6 =	sld [smem:$0x3FD0];
	(tm) =	ssettm $0x1  }
0x95: {  	s7 =	sld [smem:$0x3FFB];
	_ =	sdelay $0x3  }
0x96: {  	_ =	strace s7  }
0x97: {  	s7 =	sld [smem:$0x3FFC];
	_ =	sdelay $0x3  }
0x98: {  	_ =	strace s7  }
0x99: {  	s7 =	sld [smem:$0x3FFD];
	_ =	sdelay $0x3  }
0x9a: {  	_ =	strace s7  }
0x9b: {  	_ =	strace $0x8FFFFFFF  }
0x9c: {  	s20 =	sld [smem:$0x3FDB];
	_ =	sdelay $0x1  }
0x9d: {  	s8 =	simm.s32 $_scs_section_size  }
0x9e: {  	s9 =	simm.s32 $_size__tile_overlayer_lowered;
	s10 =	simm.s32 $_tile_overlayer_lowered  }
0x9f: {  	s23 =	simm.s32 $0x1BFF;
	s22 =	sshll.u32 s10, $0x1;
	s7 =	sadd.s32 s8, s20  }
0xa0: {  	s11 =	simm.s32 $0x0;
	s21 =	sshll.u32 s9, $0x1;
	s9 =	sadd.s32 s22, s7  }
0xa1: {  	[timem:s11], [sflag:s23] =	dma.local [hbm:s9], s21  }
0xa2: {  	_ =	swait.ge [sflag:s23], s21  }
0xa3: {  	s8 =	ssub.s32 $0x0, s21;
	[sflag:s23] =	ssyncset.done $0x0  }
0xa4: {  	[sflag:s23] =	ssyncadd.s32 s8;
	_ =	sdelay $0x1  }
0xa5: {  	s24 =	simm.s32 $0x1B8B  }
0xa6: {  	_ =	swait.ge [sflag:s24], $0x1  }
0xa7: {  	[sflag:s24] =	ssyncset.done $0x0  }
0xa8: {  	s25 =	simm.s32 $0x1B8E;
	[sflag:s24] =	ssyncadd.s32 $0xFFFFFFFF  }
0xa9: {  	s26 =	simm.s32 $execute0_lowered;
	[smem:$0x3FD2] =	sst s25  }
0xaa: {  	s8 =	sshll.u32 s26, $0x1;
	_ =	strace $0x80000046;
	[dreg:$0x1] =	wrdreg $0xFFFFFFFF  }
0xab: {  	s28 =	simm.s32 $_size_execute0_lowered;
	s7 =	sadd.s32 s7, s8;
	[dreg:$0x0] =	wrdreg $0x0  }
0xac: {  	s8 =	sshll.u32 s28, $0x1;
	[dreg:$0x2] =	wrdreg s7  }
0xad: {  	[dreg:$0x3] =	wrdreg s8  }
0xae: {  	[dreg:$0x4] =	wrdreg $0xC0  }
0xaf: {  	_ =	task [dreg:s11], $0x5FFFF  }
0xb0: {  	[dreg:$0x1] =	wrdreg $0xFFFFFFFF  }
0xb1: {  	[dreg:$0x0] =	wrdreg $0x60  }
0xb2: {  	[dreg:$0x2] =	wrdreg s4  }
0xb3: {  	[dreg:$0x3] =	wrdreg s5  }
0xb4: {  	[dreg:$0x4] =	wrdreg s2  }
0xb5: {  	[dreg:$0x5] =	wrdreg s19  }
0xb6: {  	[dreg:$0x6] =	wrdreg s6  }
0xb7: {  	[dreg:$0x7] =	wrdreg $0x9  }
0xb8: {  	_ =	task.clear_ibuf [dreg:s11], $0x8FFFF;
	_ =	strace $0x90000046  }
0xb9: {  	s29 =	simm.s32 $0x9;
	_ =	strace $0x80000048  }
0xba: {  	_ =	swait.ge [sflag:s29], $0x1  }
0xbb: {  	[sflag:s29] =	ssyncadd.s32 $0xFFFFFFFF  }
0xbc: {  	_ =	strace $0x90000048  }
0xbd: {  	_ =	sfence  }
0xbe: {  	s30 =	sld [smem:$0x0];
	_ =	sdelay $0x2  }
0xbf: {  	s31 =	sshll.u32 s1, $0xD;
	s1 =	sshrl.u32 s1, $0x2  }
0xc0: {  	s3 =	sand.u32 $0x4000, s31;
	s1 =	sadd.s32 s1, s30  }
0xc1: {  	s0 =	sor.u32 s3, s0;
	s1 =	sshll.u32 s1, $0x11  }
0xc2: {  	s0 =	sor.u32 s1, s0  }
0xc3: {  	s0 =	sadd.s32 $0x8F2B, s0  }
0xc4: {  	[sflag:s0] =	ssyncadd.remote.s32 $0x1  }
0xc5: {  	_ =	sfence.sel $0xFFFF  }
0xc6: {  	[dreg:$0x0] =	wrdreg $0xFFFFFFFF;
	(pc) =	sbr.abs _section_cstart, $3  }
0xc7: {  	[dreg:$0x1] =	wrdreg $0xFFFFFFFF  }
0xc8: {  	_ =	task.clear_ibuf [dreg:s11], $0x2FFFF;
	_ =	strace $0x9FFFFFFF  }
0xc9: {  	(tm) =	ssettm $0x7FFFFFFF  }
tec
execute0_lowered:
.L_overlay_start_1:
0x0: {  	(tag) =	ssettag $0x1  }
0x1: {  	s0 =	rddreg [dreg:$0x0]  }
0x2: {  	s2 =	rddreg [dreg:$0x1]  }
0x3: {  	s1 =	rddreg [dreg:$0x2]  }
0x4: {  	s3 =	rddreg [dreg:$0x3];
	s4 =	srdreg.scid  }
0x5: {  	s8 =	stileid.u32;
	s14 =	rddreg [dreg:$0x4]  }
0x6: {  	s21 =	simm.s32 $0x1;
	s22 =	simm.s32 $0x4;
	s30 =	simm.s32 $0xC200  }
0x7: {  	s16 =	simm.s32 $0x2;
	s28 =	simm.s32 $0x8;
	s4 =	sand.u32 $0x1, s4  }
0x8: {  	s5 =	sshll.u32 s8, $0x1;
	s8 =	sshll.u32 s8, $0x2;
	s9 =	sadd.s32 $0x200, s0  }
0x9: {  	s10 =	sadd.s32 $0x300, s0;
	s11 =	sadd.s32 $0x100, s2;
	s12 =	sadd.s32 $0x200, s2  }
0xa: {  	s13 =	sadd.s32 $0x300, s2;
	s6 =	sor.u32 s4, s5;
	s5 =	simm.s32 $0x0  }
0xb: {  	s4 =	ssub.s32 $0x2, s4;
	s7 =	sshll.u32 s6, $0x7;
	[smem:$0x7FF] =	sst s5  }
0xc: {  	s23 =	sshrl.u32 s4, $0x1;
	s25 =	sshll.u32 s6, $0xF;
	s26 =	sshll.u32 s6, $0x12  }
0xd: {  	s7 =	sor.u32 s8, s7;
	_ =	strace $0x80000047;
	s14 =	sadd.s32 s14, s25  }
0xe: {  	s4 =	ssub.s32 s4, s23;
	s8 =	sadd.s32 $0x100, s0;
	s29 =	sadd.s32 $0x7800, s14  }
0xf: {  	s7 =	sand.u32 $0x3B0, s7;
	s31 =	smax.u32 s4, $0x1;
	[dreg:$0x9] =	wrdreg s29  }
0x10: {  	s23 =	simm.s32 $0x5;
	s1 =	sadd.s32 s1, s7;
	[dreg:$0xa] =	wrdreg s31  }
0x11: {  	v2 =	vlaneseq.u32;
	s25 =	simm.s32 $0x3;
	s24 =	sadd.s32 s3, s7;
	[dreg:$0x6] =	wrdreg s1  }
0x12: {  	vm0 =	vmmov $0xffff;
	v1 =	vshrl.u32 v2, $0x3;
	s3 =	simm.s32 $0x0;
	[dreg:$0x7] =	wrdreg s24;
	s1 =	sor.u32 $0x4000, s26  }
0x13: {  	v0 =	vand.u32 $0x7, v2;
	v2 =	vor.u32 $0x8, v2;
	v1 =	vmul.u32 $0x8, v1;
	s24 =	simm.s32 $0x7;
	s26 =	simm.s32 $0x6;
	[dreg:$0x8] =	wrdreg s1  }
.LBB2_1:
0x14: {  	[dreg:$0xb] =	wrdreg s3  }
0x15: {  	s1 =	rddreg [dreg:$0x6];
	s20 =	simm.s32 $0x80;
	s4 =	simm.s32 $0x200  }
0x16: {  	[tilespmem:s5], [sflag:$0x1] =	stream.strided.gather [hbm4b:s1+s20], $0x100, s4, s20, $0x38;
	[tilespmem:$0x18200] =	vst v63  }
0x17: {  	s31 =	rddreg [dreg:$0x7];
	s6 =	simm.s32 $0x100  }
0x18: {  	[tilespmem:s6], [sflag:$0x4] =	stream.strided.gather [hbm4b:s31+s20], $0x100, s4, s20, $0x38;
	[tilespmem:$0x18200] =	vst v63  }
0x19: {  	_ =	swait.ge [sflag:s21], $0x100  }
0x1a: {  	[sflag:s21] =	ssyncset.done $0x0  }
0x1b: {  	[sflag:s21] =	ssyncadd.s32 $0xFFFFFF00  }
0x1c: {  	_ =	swait.ge [sflag:s22], $0x100  }
0x1d: {  	[sflag:s22] =	ssyncset.done $0x0  }
0x1e: {  	[sflag:s22] =	ssyncadd.s32 $0xFFFFFF00  }
0x1f: {  	v3 =	vld [tilespmem:$0x0];
	_ =	sdelay $0x4  }
0x20: {  	v4 =	vshll.u32 v3, $0x3  }
0x21: {  	v3 =	vand.u32 $0x7, v3;
	v4 =	vand.u32 $0xFFFFFFC0, v4  }
0x22: {  	v3 =	vor.u32 v3, v4  }
0x23: {  	v4 =	vperm.xlane v3, v0;
	_ =	sdelay $0x1  }
0x24: {  	v4 =	vadd.s32 v1, v4;
	_ =	sdelay $0x4  }
0x25: {  	[tilespmem:s4], [sflag:$0x1] =	stream.indirect_vreg.gather [hbm4b:s0+s5], $0x80, v4, vm0, $0xb8;
	[tilespmem:$0x18200] =	vst v63  }
0x26: {  	s6 =	simm.s32 $0xA00;
	v3 =	vperm.xlane v3, v2  }
0x27: {  	[tilespmem:s6], [sflag:$0x1] =	stream.indirect_vreg.gather [hbm4b:s8+s5], $0x80, v4, vm0, $0xb8;
	[tilespmem:$0x18200] =	vst v63  }
0x28: {  	s7 =	simm.s32 $0x1200;
	v3 =	vadd.s32 v1, v3  }
0x29: {  	[tilespmem:s7], [sflag:$0x1] =	stream.indirect_vreg.gather [hbm4b:s9+s5], $0x80, v4, vm0, $0xb8;
	[tilespmem:$0x18200] =	vst v63  }
0x2a: {  	s15 =	simm.s32 $0x1A00  }
0x2b: {  	[tilespmem:s15], [sflag:$0x1] =	stream.indirect_vreg.gather [hbm4b:s10+s5], $0x80, v4, vm0, $0xb8;
	[tilespmem:$0x18200] =	vst v63  }
0x2c: {  	s17 =	simm.s32 $0x2200  }
0x2d: {  	[tilespmem:s17], [sflag:$0x1] =	stream.indirect_vreg.gather [hbm4b:s0+s5], $0x80, v3, vm0, $0xb8;
	[tilespmem:$0x18200] =	vst v63  }
0x2e: {  	s18 =	simm.s32 $0x2A00  }
0x2f: {  	[tilespmem:s18], [sflag:$0x1] =	stream.indirect_vreg.gather [hbm4b:s8+s5], $0x80, v3, vm0, $0xb8;
	[tilespmem:$0x18200] =	vst v63  }
0x30: {  	s19 =	simm.s32 $0x3200  }
0x31: {  	[tilespmem:s19], [sflag:$0x1] =	stream.indirect_vreg.gather [hbm4b:s9+s5], $0x80, v3, vm0, $0xb8;
	[tilespmem:$0x18200] =	vst v63  }
0x32: {  	s20 =	simm.s32 $0x3A00  }
0x33: {  	[tilespmem:s20], [sflag:$0x1] =	stream.indirect_vreg.gather [hbm4b:s10+s5], $0x80, v3, vm0, $0xb8;
	[tilespmem:$0x18200] =	vst v63  }
0x34: {  	v3 =	vld [tilespmem:$0x10];
	_ =	sdelay $0x4  }
0x35: {  	v60 =	vshll.u32 v3, $0x3  }
0x36: {  	v3 =	vand.u32 $0x7, v3;
	v4 =	vand.u32 $0xFFFFFFC0, v60  }
0x37: {  	v3 =	vor.u32 v3, v4  }
0x38: {  	v4 =	vperm.xlane v3, v0;
	_ =	sdelay $0x1  }
0x39: {  	v4 =	vadd.s32 v1, v4;
	_ =	sdelay $0x3  }
0x3a: {  	s31 =	simm.s32 $0x4200  }
0x3b: {  	[tilespmem:s31], [sflag:$0x2] =	stream.indirect_vreg.gather [hbm4b:s0+s5], $0x80, v4, vm0, $0xb8;
	[tilespmem:$0x18200] =	vst v63  }
0x3c: {  	s3 =	simm.s32 $0x4A00;
	v3 =	vperm.xlane v3, v2  }
0x3d: {  	[tilespmem:s3], [sflag:$0x2] =	stream.indirect_vreg.gather [hbm4b:s8+s5], $0x80, v4, vm0, $0xb8;
	[tilespmem:$0x18200] =	vst v63  }
0x3e: {  	s4 =	simm.s32 $0x5200;
	v3 =	vadd.s32 v1, v3  }
0x3f: {  	[tilespmem:s4], [sflag:$0x2] =	stream.indirect_vreg.gather [hbm4b:s9+s5], $0x80, v4, vm0, $0xb8;
	[tilespmem:$0x18200] =	vst v63  }
0x40: {  	s6 =	simm.s32 $0x5A00  }
0x41: {  	[tilespmem:s6], [sflag:$0x2] =	stream.indirect_vreg.gather [hbm4b:s10+s5], $0x80, v4, vm0, $0xb8;
	[tilespmem:$0x18200] =	vst v63  }
0x42: {  	s7 =	simm.s32 $0x6200  }
0x43: {  	[tilespmem:s7], [sflag:$0x2] =	stream.indirect_vreg.gather [hbm4b:s0+s5], $0x80, v3, vm0, $0xb8;
	[tilespmem:$0x18200] =	vst v63  }
0x44: {  	s15 =	simm.s32 $0x6A00  }
0x45: {  	[tilespmem:s15], [sflag:$0x2] =	stream.indirect_vreg.gather [hbm4b:s8+s5], $0x80, v3, vm0, $0xb8;
	[tilespmem:$0x18200] =	vst v63  }
0x46: {  	s17 =	simm.s32 $0x7200  }
0x47: {  	[tilespmem:s17], [sflag:$0x2] =	stream.indirect_vreg.gather [hbm4b:s9+s5], $0x80, v3, vm0, $0xb8;
	[tilespmem:$0x18200] =	vst v63  }
0x48: {  	s18 =	simm.s32 $0x7A00  }
0x49: {  	[tilespmem:s18], [sflag:$0x2] =	stream.indirect_vreg.gather [hbm4b:s10+s5], $0x80, v3, vm0, $0xb8;
	[tilespmem:$0x18200] =	vst v63  }
0x4a: {  	v3 =	vld [tilespmem:$0x20];
	_ =	sdelay $0x4  }
0x4b: {  	v61 =	vshll.u32 v3, $0x3  }
0x4c: {  	v3 =	vand.u32 $0x7, v3;
	v4 =	vand.u32 $0xFFFFFFC0, v61  }
0x4d: {  	v3 =	vor.u32 v3, v4  }
0x4e: {  	v4 =	vperm.xlane v3, v0;
	_ =	sdelay $0x1  }
0x4f: {  	v4 =	vadd.s32 v1, v4;
	_ =	sdelay $0x3  }
0x50: {  	s19 =	simm.s32 $0x8200  }
0x51: {  	[tilespmem:s19], [sflag:$0x3] =	stream.indirect_vreg.gather [hbm4b:s0+s5], $0x80, v4, vm0, $0xb8;
	[tilespmem:$0x18200] =	vst v63  }
0x52: {  	s20 =	simm.s32 $0x8A00;
	v3 =	vperm.xlane v3, v2  }
0x53: {  	[tilespmem:s20], [sflag:$0x3] =	stream.indirect_vreg.gather [hbm4b:s8+s5], $0x80, v4, vm0, $0xb8;
	[tilespmem:$0x18200] =	vst v63  }
0x54: {  	s31 =	simm.s32 $0x9200;
	v3 =	vadd.s32 v1, v3  }
0x55: {  	[tilespmem:s31], [sflag:$0x3] =	stream.indirect_vreg.gather [hbm4b:s9+s5], $0x80, v4, vm0, $0xb8;
	[tilespmem:$0x18200] =	vst v63  }
0x56: {  	s3 =	simm.s32 $0x9A00  }
0x57: {  	[tilespmem:s3], [sflag:$0x3] =	stream.indirect_vreg.gather [hbm4b:s10+s5], $0x80, v4, vm0, $0xb8;
	[tilespmem:$0x18200] =	vst v63  }
0x58: {  	s4 =	simm.s32 $0xA200  }
0x59: {  	[tilespmem:s4], [sflag:$0x3] =	stream.indirect_vreg.gather [hbm4b:s0+s5], $0x80, v3, vm0, $0xb8;
	[tilespmem:$0x18200] =	vst v63  }
0x5a: {  	s6 =	simm.s32 $0xAA00  }
0x5b: {  	[tilespmem:s6], [sflag:$0x3] =	stream.indirect_vreg.gather [hbm4b:s8+s5], $0x80, v3, vm0, $0xb8;
	[tilespmem:$0x18200] =	vst v63  }
0x5c: {  	s7 =	simm.s32 $0xB200  }
0x5d: {  	[tilespmem:s7], [sflag:$0x3] =	stream.indirect_vreg.gather [hbm4b:s9+s5], $0x80, v3, vm0, $0xb8;
	[tilespmem:$0x18200] =	vst v63  }
0x5e: {  	s15 =	simm.s32 $0xBA00  }
0x5f: {  	[tilespmem:s15], [sflag:$0x3] =	stream.indirect_vreg.gather [hbm4b:s10+s5], $0x80, v3, vm0, $0xb8;
	[tilespmem:$0x18200] =	vst v63  }
0x60: {  	v3 =	vld [tilespmem:$0x100];
	_ =	sdelay $0x4  }
0x61: {  	v62 =	vshll.u32 v3, $0x3  }
0x62: {  	v3 =	vand.u32 $0x7, v3;
	v4 =	vand.u32 $0xFFFFFFC0, v62  }
0x63: {  	v3 =	vor.u32 v3, v4  }
0x64: {  	v4 =	vperm.xlane v3, v0;
	_ =	sdelay $0x1  }
0x65: {  	v4 =	vadd.s32 v1, v4;
	_ =	sdelay $0x4  }
0x66: {  	[tilespmem:s30], [sflag:$0x4] =	stream.indirect_vreg.gather [hbm4b:s2+s5], $0x80, v4, vm0, $0xb8;
	[tilespmem:$0x18200] =	vst v63  }
0x67: {  	s17 =	simm.s32 $0xCA00;
	v3 =	vperm.xlane v3, v2  }
0x68: {  	[tilespmem:s17], [sflag:$0x4] =	stream.indirect_vreg.gather [hbm4b:s11+s5], $0x80, v4, vm0, $0xb8;
	[tilespmem:$0x18200] =	vst v63  }
0x69: {  	s18 =	simm.s32 $0xD200;
	v3 =	vadd.s32 v1, v3  }
0x6a: {  	[tilespmem:s18], [sflag:$0x4] =	stream.indirect_vreg.gather [hbm4b:s12+s5], $0x80, v4, vm0, $0xb8;
	[tilespmem:$0x18200] =	vst v63  }
0x6b: {  	s19 =	simm.s32 $0xDA00  }
0x6c: {  	[tilespmem:s19], [sflag:$0x4] =	stream.indirect_vreg.gather [hbm4b:s13+s5], $0x80, v4, vm0, $0xb8;
	[tilespmem:$0x18200] =	vst v63  }
0x6d: {  	s20 =	simm.s32 $0xE200  }
0x6e: {  	[tilespmem:s20], [sflag:$0x4] =	stream.indirect_vreg.gather [hbm4b:s2+s5], $0x80, v3, vm0, $0xb8;
	[tilespmem:$0x18200] =	vst v63  }
0x6f: {  	s31 =	simm.s32 $0xEA00  }
0x70: {  	[tilespmem:s31], [sflag:$0x4] =	stream.indirect_vreg.gather [hbm4b:s11+s5], $0x80, v3, vm0, $0xb8;
	[tilespmem:$0x18200] =	vst v63  }
0x71: {  	s3 =	simm.s32 $0xF200  }
0x72: {  	[tilespmem:s3], [sflag:$0x4] =	stream.indirect_vreg.gather [hbm4b:s12+s5], $0x80, v3, vm0, $0xb8;
	[tilespmem:$0x18200] =	vst v63  }
0x73: {  	s4 =	simm.s32 $0xFA00  }
0x74: {  	[tilespmem:s4], [sflag:$0x4] =	stream.indirect_vreg.gather [hbm4b:s13+s5], $0x80, v3, vm0, $0xb8;
	[tilespmem:$0x18200] =	vst v63  }
0x75: {  	v3 =	vld [tilespmem:$0x110];
	_ =	sdelay $0x4  }
0x76: {  	v63 =	vshll.u32 v3, $0x3  }
0x77: {  	v3 =	vand.u32 $0x7, v3;
	v4 =	vand.u32 $0xFFFFFFC0, v63  }
0x78: {  	v3 =	vor.u32 v3, v4  }
0x79: {  	v4 =	vperm.xlane v3, v0;
	_ =	sdelay $0x1  }
0x7a: {  	v4 =	vadd.s32 v1, v4;
	_ =	sdelay $0x3  }
0x7b: {  	s6 =	simm.s32 $0x10200  }
0x7c: {  	[tilespmem:s6], [sflag:$0x5] =	stream.indirect_vreg.gather [hbm4b:s2+s5], $0x80, v4, vm0, $0xb8;
	[tilespmem:$0x18200] =	vst v63  }
0x7d: {  	s7 =	simm.s32 $0x10A00;
	v3 =	vperm.xlane v3, v2  }
0x7e: {  	[tilespmem:s7], [sflag:$0x5] =	stream.indirect_vreg.gather [hbm4b:s11+s5], $0x80, v4, vm0, $0xb8;
	[tilespmem:$0x18200] =	vst v63  }
0x7f: {  	s15 =	simm.s32 $0x11200;
	v3 =	vadd.s32 v1, v3  }
0x80: {  	[tilespmem:s15], [sflag:$0x5] =	stream.indirect_vreg.gather [hbm4b:s12+s5], $0x80, v4, vm0, $0xb8;
	[tilespmem:$0x18200] =	vst v63  }
0x81: {  	s17 =	simm.s32 $0x11A00  }
0x82: {  	[tilespmem:s17], [sflag:$0x5] =	stream.indirect_vreg.gather [hbm4b:s13+s5], $0x80, v4, vm0, $0xb8;
	[tilespmem:$0x18200] =	vst v63  }
0x83: {  	s18 =	simm.s32 $0x12200  }
0x84: {  	[tilespmem:s18], [sflag:$0x5] =	stream.indirect_vreg.gather [hbm4b:s2+s5], $0x80, v3, vm0, $0xb8;
	[tilespmem:$0x18200] =	vst v63  }
0x85: {  	s19 =	simm.s32 $0x12A00  }
0x86: {  	[tilespmem:s19], [sflag:$0x5] =	stream.indirect_vreg.gather [hbm4b:s11+s5], $0x80, v3, vm0, $0xb8;
	[tilespmem:$0x18200] =	vst v63  }
0x87: {  	s20 =	simm.s32 $0x13200  }
0x88: {  	[tilespmem:s20], [sflag:$0x5] =	stream.indirect_vreg.gather [hbm4b:s12+s5], $0x80, v3, vm0, $0xb8;
	[tilespmem:$0x18200] =	vst v63  }
0x89: {  	s29 =	simm.s32 $0x0;
	s31 =	simm.s32 $0x13A00  }
0x8a: {  	[tilespmem:s31], [sflag:$0x5] =	stream.indirect_vreg.gather [hbm4b:s13+s5], $0x80, v3, vm0, $0xb8;
	[tilespmem:$0x18200] =	vst v63  }
.LBB2_2:
0x8b: {  	_ =	swait.ge [sflag:s21], $0x4000  }
0x8c: {  	s1 =	simm.s32 $0x0;
	s3 =	simm.s32 $0x0;
	[sflag:s21] =	ssyncset.done $0x0  }
0x8d: {  	s4 =	sand.u32 $0x2000, s3;
	s6 =	sand.u32 $0x1C00, s1;
	[sflag:s21] =	ssyncadd.s32 $0xFFFFC000  }
0x8e: {  	s1 =	sand.u32 $0x380, s1;
	s4 =	sor.u32 s4, s6;
	_ =	swait.ge [sflag:s22], $0x4000  }
0x8f: {  	s3 =	sand.u32 $0x40, s3;
	s1 =	sor.u32 s1, s4;
	[sflag:s22] =	ssyncset.done $0x0  }
0x90: {  	s1 =	sor.u32 s3, s1;
	[sflag:s22] =	ssyncadd.s32 $0xFFFFC000  }
0x91: {  	v3 =	vld [tilespmem:s1+$0x230]  }
0x92: {  	v4 =	vld [tilespmem:s1+$0x200]  }
0x93: {  	v5 =	vld [tilespmem:s1+$0xC230]  }
0x94: {  	s6 =	simm.s32 $0x200;
	s4 =	simm.s32 $0x40;
	v8 =	vld [tilespmem:s1+$0x210]  }
0x95: {  	s7 =	simm.s32 $0x8;
	s15 =	sand.u32 $0x1C00, s6;
	s20 =	sand.u32 $0x2000, s4;
	v10 =	vld [tilespmem:s1+$0x220]  }
0x96: {  	s31 =	sand.u32 $0x380, s7;
	s3 =	sor.u32 s20, s15;
	v11 =	vld [tilespmem:s1+$0xC200]  }
0x97: {  	s19 =	sand.u32 $0x40, s4;
	s3 =	sor.u32 s31, s3;
	v7 =	vld [tilespmem:s1+$0xC210];
	v6 =	vmul.f32 $3.200000000e+01, v3  }
0x98: {  	s3 =	sor.u32 s19, s3;
	v3 =	vld [tilespmem:s1+$0xC220]  }
0x99: {  	v12 =	vmul.f32 $3.200000000e+01, v4;
	v5 =	vadd.f32 v5, v6;
	v6 =	vld [tilespmem:s3+$0x230]  }
0x9a: {  	v4 =	vld [tilespmem:s3+$0x200];
	v9 =	vmul.f32 $3.200000000e+01, v8  }
0x9b: {  	v8 =	vmul.f32 $3.200000000e+01, v10;
	v10 =	vadd.f32 v11, v12;
	[tilespmem:s1+$0xC230] =	vst v5;
	v5 =	vld [tilespmem:s3+$0xC230]  }
.LBB2_3:
0x9c: {  	s4 =	sadd.s32 $0x40, s4;
	v11 =	vld [tilespmem:s3+$0x210];
	s6 =	sadd.s32 $0x200, s6;
	v7 =	vadd.f32 v7, v9  }
0x9d: {  	s7 =	sadd.s32 $0x8, s7;
	s15 =	sand.u32 $0x2000, s4;
	s19 =	sand.u32 $0x1C00, s6;
	v12 =	vld [tilespmem:s3+$0x220];
	[tilespmem:s1+$0xC200] =	vst v10;
	v3 =	vadd.f32 v3, v8  }
0x9e: {  	p0 =	slt.u32 s4, $0x3FC0;
	s15 =	sor.u32 s15, s19;
	s19 =	sand.u32 $0x380, s7;
	v10 =	vld [tilespmem:s3+$0xC200];
	v6 =	vmul.f32 $3.200000000e+01, v6;
	[tilespmem:s1+$0xC210] =	vst v7  }
.Ltmp0:
0x9f: {  	s20 =	sand.u32 $0x40, s4;
	s15 =	sor.u32 s19, s15;
	v13 =	vmul.f32 $3.200000000e+01, v4;
	v7 =	vld [tilespmem:s3+$0xC210];
	[tilespmem:s1+$0xC220] =	vst v3;
	(pc) =	sbr.rel @p0 .LBB2_3-.Ltmp0, $4  }
0xa0: {  	s1 =	smov.u32 s3;
	v3 =	vld [tilespmem:s3+$0xC220];
	v5 =	vadd.f32 v5, v6;
	s3 =	sor.u32 s20, s15  }
0xa1: {  	v6 =	vld [tilespmem:s3+$0x230];
	v9 =	vmul.f32 $3.200000000e+01, v11  }
0xa2: {  	v4 =	vld [tilespmem:s3+$0x200];
	v8 =	vmul.f32 $3.200000000e+01, v12;
	[tilespmem:s1+$0xC230] =	vst v5  }
0xa3: {  	v5 =	vld [tilespmem:s3+$0xC230];
	v10 =	vadd.f32 v10, v13  }
0xa4: {  	v11 =	vld [tilespmem:s3+$0x210]  }
0xa5: {  	v12 =	vld [tilespmem:s3+$0x220]  }
0xa6: {  	v13 =	vld [tilespmem:s3+$0xC200]  }
0xa7: {  	v14 =	vld [tilespmem:s3+$0xC210]  }
0xa8: {  	v7 =	vadd.f32 v7, v9;
	v9 =	vld [tilespmem:s3+$0xC220];
	v6 =	vmul.f32 $3.200000000e+01, v6  }
0xa9: {  	[tilespmem:s1+$0xC200] =	vst v10;
	v3 =	vadd.f32 v3, v8;
	v4 =	vmul.f32 $3.200000000e+01, v4  }
0xaa: {  	[tilespmem:s1+$0xC210] =	vst v7;
	v5 =	vadd.f32 v5, v6;
	v6 =	vmul.f32 $3.200000000e+01, v11  }
0xab: {  	[tilespmem:s1+$0xC220] =	vst v3;
	v3 =	vmul.f32 $3.200000000e+01, v12;
	v4 =	vadd.f32 v13, v4  }
0xac: {  	s4 =	smul.u32 $0xC0, s29;
	[tilespmem:s3+$0xC230] =	vst v5;
	v5 =	vadd.f32 v14, v6  }
0xad: {  	s7 =	smul.u32 $0x1800, s29;
	[tilespmem:s3+$0xC200] =	vst v4;
	v3 =	vadd.f32 v9, v3  }
0xae: {  	s15 =	sadd.s32 $0xC0, s4;
	[tilespmem:s3+$0xC210] =	vst v5  }
0xaf: {  	s1 =	sadd.s32 s7, s14;
	[tilespmem:s3+$0xC220] =	vst v3;
	s3 =	sshra.s32 s15, $0x2  }
0xb0: {  	[hbm4b:s1+s5] =	stream.linear.scatter [tilespmem:s30], [sflag:$0x7], $0x4000, $0x38;
	[tilespmem:$0x18200] =	vst v63  }
0xb1: {  	v3 =	vld [tilespmem:s3+$0x0];
	_ =	sdelay $0x4  }
0xb2: {  	v4 =	vshll.u32 v3, $0x3  }
0xb3: {  	v3 =	vand.u32 $0x7, v3;
	v4 =	vand.u32 $0xFFFFFFC0, v4  }
0xb4: {  	v3 =	vor.u32 v3, v4  }
0xb5: {  	v4 =	vperm.xlane v3, v0;
	_ =	sdelay $0x1  }
0xb6: {  	v4 =	vadd.s32 v1, v4;
	_ =	sdelay $0x3  }
0xb7: {  	s17 =	simm.s32 $0x200  }
0xb8: {  	[tilespmem:s17], [sflag:$0x1] =	stream.indirect_vreg.gather [hbm4b:s0+s5], $0x80, v4, vm0, $0xb8;
	[tilespmem:$0x18200] =	vst v63  }
0xb9: {  	s18 =	simm.s32 $0xA00;
	v3 =	vperm.xlane v3, v2  }
0xba: {  	[tilespmem:s18], [sflag:$0x1] =	stream.indirect_vreg.gather [hbm4b:s8+s5], $0x80, v4, vm0, $0xb8;
	[tilespmem:$0x18200] =	vst v63  }
0xbb: {  	s19 =	simm.s32 $0x1200;
	v3 =	vadd.s32 v1, v3  }
0xbc: {  	[tilespmem:s19], [sflag:$0x1] =	stream.indirect_vreg.gather [hbm4b:s9+s5], $0x80, v4, vm0, $0xb8;
	[tilespmem:$0x18200] =	vst v63  }
0xbd: {  	s20 =	simm.s32 $0x1A00  }
0xbe: {  	[tilespmem:s20], [sflag:$0x1] =	stream.indirect_vreg.gather [hbm4b:s10+s5], $0x80, v4, vm0, $0xb8;
	[tilespmem:$0x18200] =	vst v63  }
0xbf: {  	s30 =	simm.s32 $0x2200  }
0xc0: {  	[tilespmem:s30], [sflag:$0x1] =	stream.indirect_vreg.gather [hbm4b:s0+s5], $0x80, v3, vm0, $0xb8;
	[tilespmem:$0x18200] =	vst v63  }
0xc1: {  	s6 =	simm.s32 $0x2A00  }
0xc2: {  	[tilespmem:s6], [sflag:$0x1] =	stream.indirect_vreg.gather [hbm4b:s8+s5], $0x80, v3, vm0, $0xb8;
	[tilespmem:$0x18200] =	vst v63  }
0xc3: {  	p0 =	seq.s32 s29, $0x0;
	s7 =	simm.s32 $0x3200  }
0xc4: {  	[tilespmem:s7], [sflag:$0x1] =	stream.indirect_vreg.gather [hbm4b:s9+s5], $0x80, v3, vm0, $0xb8;
	[tilespmem:$0x18200] =	vst v63  }
0xc5: {  	s15 =	simm.s32 $0x3A00;
	s1 =	smul.u32 $0x3, s29;
	s6 =	simm.s32 @!p0 $0x9  }
0xc6: {  	[tilespmem:s15], [sflag:$0x1] =	stream.indirect_vreg.gather [hbm4b:s10+s5], $0x80, v3, vm0, $0xb8;
	[tilespmem:$0x18200] =	vst v63  }
0xc7: {  	s31 =	sadd.s32 $0x2, s1;
	_ =	swait.ge @!p0 [sflag:s6], $0x4000  }
0xc8: {  	s7 =	sshll.u32 s31, $0x4;
	[sflag:s6] =	ssyncset.done @!p0 $0x0  }
0xc9: {  	s17 =	sand.u32 $0x3FFFFFF0, s7;
	[sflag:s6] =	ssyncadd.s32 @!p0 $0xFFFFC000  }
0xca: {  	v3 =	vld [tilespmem:s17+$0x100];
	_ =	sdelay $0x4  }
0xcb: {  	v4 =	vshll.u32 v3, $0x3  }
0xcc: {  	v3 =	vand.u32 $0x7, v3;
	v4 =	vand.u32 $0xFFFFFFC0, v4  }
0xcd: {  	v3 =	vor.u32 v3, v4  }
0xce: {  	v4 =	vperm.xlane v3, v0;
	_ =	sdelay $0x1  }
0xcf: {  	v4 =	vadd.s32 v1, v4;
	_ =	sdelay $0x3  }
0xd0: {  	s18 =	simm.s32 $0x14200;
	s6 =	simm.s32 $0x0  }
0xd1: {  	[tilespmem:s18], [sflag:$0x6] =	stream.indirect_vreg.gather [hbm4b:s2+s6], $0x80, v4, vm0, $0xb8;
	[tilespmem:$0x18200] =	vst v63  }
0xd2: {  	s19 =	simm.s32 $0x14A00;
	v3 =	vperm.xlane v3, v2  }
0xd3: {  	[tilespmem:s19], [sflag:$0x6] =	stream.indirect_vreg.gather [hbm4b:s11+s6], $0x80, v4, vm0, $0xb8;
	[tilespmem:$0x18200] =	vst v63  }
0xd4: {  	s20 =	simm.s32 $0x15200;
	v3 =	vadd.s32 v1, v3  }
0xd5: {  	[tilespmem:s20], [sflag:$0x6] =	stream.indirect_vreg.gather [hbm4b:s12+s6], $0x80, v4, vm0, $0xb8;
	[tilespmem:$0x18200] =	vst v63  }
0xd6: {  	s30 =	simm.s32 $0x15A00  }
0xd7: {  	[tilespmem:s30], [sflag:$0x6] =	stream.indirect_vreg.gather [hbm4b:s13+s6], $0x80, v4, vm0, $0xb8;
	[tilespmem:$0x18200] =	vst v63  }
0xd8: {  	s15 =	simm.s32 $0x16200  }
0xd9: {  	[tilespmem:s15], [sflag:$0x6] =	stream.indirect_vreg.gather [hbm4b:s2+s6], $0x80, v3, vm0, $0xb8;
	[tilespmem:$0x18200] =	vst v63  }
0xda: {  	s17 =	simm.s32 $0x16A00  }
0xdb: {  	[tilespmem:s17], [sflag:$0x6] =	stream.indirect_vreg.gather [hbm4b:s11+s6], $0x80, v3, vm0, $0xb8;
	[tilespmem:$0x18200] =	vst v63  }
0xdc: {  	s18 =	simm.s32 $0x17200  }
0xdd: {  	[tilespmem:s18], [sflag:$0x6] =	stream.indirect_vreg.gather [hbm4b:s12+s6], $0x80, v3, vm0, $0xb8;
	[tilespmem:$0x18200] =	vst v63  }
0xde: {  	s19 =	simm.s32 $0x17A00  }
0xdf: {  	[tilespmem:s19], [sflag:$0x6] =	stream.indirect_vreg.gather [hbm4b:s13+s6], $0x80, v3, vm0, $0xb8;
	[tilespmem:$0x18200] =	vst v63  }
0xe0: {  	_ =	swait.ge [sflag:s16], $0x4000  }
0xe1: {  	s20 =	simm.s32 $0x0;
	[sflag:s16] =	ssyncset.done $0x0  }
0xe2: {  	s15 =	sand.u32 $0x2000, s20;
	s19 =	sand.u32 $0x1C00, s6;
	[sflag:s16] =	ssyncadd.s32 $0xFFFFC000  }
0xe3: {  	s6 =	sand.u32 $0x380, s6;
	s15 =	sor.u32 s15, s19;
	_ =	swait.ge [sflag:s23], $0x4000  }
0xe4: {  	s7 =	sand.u32 $0x40, s20;
	s6 =	sor.u32 s6, s15;
	[sflag:s23] =	ssyncset.done $0x0  }
0xe5: {  	s20 =	sor.u32 s7, s6;
	[sflag:s23] =	ssyncadd.s32 $0xFFFFC000  }
0xe6: {  	v3 =	vld [tilespmem:s20+$0x4230]  }
0xe7: {  	v4 =	vld [tilespmem:s20+$0x4200]  }
0xe8: {  	v5 =	vld [tilespmem:s20+$0x10230]  }
0xe9: {  	s19 =	simm.s32 $0x200;
	s7 =	simm.s32 $0x40;
	v8 =	vld [tilespmem:s20+$0x4210]  }
0xea: {  	s18 =	sand.u32 $0x1C00, s19;
	s15 =	simm.s32 $0x8;
	s30 =	sand.u32 $0x2000, s7;
	v10 =	vld [tilespmem:s20+$0x4220]  }
0xeb: {  	s17 =	sand.u32 $0x380, s15;
	s6 =	sor.u32 s30, s18;
	v11 =	vld [tilespmem:s20+$0x10200]  }
0xec: {  	s30 =	sand.u32 $0x40, s7;
	s6 =	sor.u32 s17, s6;
	v7 =	vld [tilespmem:s20+$0x10210];
	v6 =	vmul.f32 $3.200000000e+01, v3  }
0xed: {  	s6 =	sor.u32 s30, s6;
	v3 =	vld [tilespmem:s20+$0x10220]  }
0xee: {  	v63 =	vmul.f32 $3.200000000e+01, v4;
	v5 =	vadd.f32 v5, v6;
	v6 =	vld [tilespmem:s6+$0x4230]  }
0xef: {  	v4 =	vld [tilespmem:s6+$0x4200];
	v9 =	vmul.f32 $3.200000000e+01, v8  }
0xf0: {  	v8 =	vmul.f32 $3.200000000e+01, v10;
	v10 =	vadd.f32 v11, v63;
	[tilespmem:s20+$0x10230] =	vst v5;
	v5 =	vld [tilespmem:s6+$0x10230]  }
.LBB2_5:
0xf1: {  	s7 =	sadd.s32 $0x40, s7;
	v11 =	vld [tilespmem:s6+$0x4210];
	s19 =	sadd.s32 $0x200, s19;
	v7 =	vadd.f32 v7, v9  }
0xf2: {  	s15 =	sadd.s32 $0x8, s15;
	s18 =	sand.u32 $0x2000, s7;
	s30 =	sand.u32 $0x1C00, s19;
	v12 =	vld [tilespmem:s6+$0x4220];
	[tilespmem:s20+$0x10200] =	vst v10;
	v3 =	vadd.f32 v3, v8  }
0xf3: {  	p0 =	slt.u32 s7, $0x3FC0;
	s18 =	sor.u32 s18, s30;
	s30 =	sand.u32 $0x380, s15;
	v10 =	vld [tilespmem:s6+$0x10200];
	v6 =	vmul.f32 $3.200000000e+01, v6;
	[tilespmem:s20+$0x10210] =	vst v7  }
.Ltmp1:
0xf4: {  	s17 =	sand.u32 $0x40, s7;
	s18 =	sor.u32 s30, s18;
	v13 =	vmul.f32 $3.200000000e+01, v4;
	v7 =	vld [tilespmem:s6+$0x10210];
	[tilespmem:s20+$0x10220] =	vst v3;
	(pc) =	sbr.rel @p0 .LBB2_5-.Ltmp1, $4  }
0xf5: {  	s20 =	smov.u32 s6;
	v3 =	vld [tilespmem:s6+$0x10220];
	v5 =	vadd.f32 v5, v6;
	s6 =	sor.u32 s17, s18  }
0xf6: {  	v6 =	vld [tilespmem:s6+$0x4230];
	v9 =	vmul.f32 $3.200000000e+01, v11  }
0xf7: {  	v4 =	vld [tilespmem:s6+$0x4200];
	v8 =	vmul.f32 $3.200000000e+01, v12;
	[tilespmem:s20+$0x10230] =	vst v5  }
0xf8: {  	v5 =	vld [tilespmem:s6+$0x10230];
	v10 =	vadd.f32 v10, v13  }
0xf9: {  	v13 =	vld [tilespmem:s6+$0x10200]  }
0xfa: {  	v11 =	vld [tilespmem:s6+$0x4210]  }
0xfb: {  	v12 =	vld [tilespmem:s6+$0x4220];
	v7 =	vadd.f32 v7, v9;
	v6 =	vmul.f32 $3.200000000e+01, v6  }
0xfc: {  	v14 =	vld [tilespmem:s6+$0x10210];
	[tilespmem:s20+$0x10200] =	vst v10;
	v3 =	vadd.f32 v3, v8;
	v4 =	vmul.f32 $3.200000000e+01, v4  }
0xfd: {  	v9 =	vld [tilespmem:s6+$0x10220];
	[tilespmem:s20+$0x10210] =	vst v7;
	v5 =	vadd.f32 v5, v6  }
0xfe: {  	[tilespmem:s20+$0x10220] =	vst v3;
	v4 =	vadd.f32 v13, v4  }
0xff: {  	v6 =	vmul.f32 $3.200000000e+01, v11;
	[tilespmem:s6+$0x10230] =	vst v5  }
0x100: {  	s7 =	smul.u32 $0xC000, s29;
	v3 =	vmul.f32 $3.200000000e+01, v12;
	[tilespmem:s6+$0x10200] =	vst v4  }
0x101: {  	v5 =	vadd.f32 v14, v6;
	s15 =	rddreg [dreg:$0x8]  }
0x102: {  	v3 =	vadd.f32 v9, v3;
	s7 =	sadd.s32 s7, s15  }
0x103: {  	s19 =	rddreg [dreg:$0x4];
	s1 =	sadd.s32 $0x4, s1;
	[tilespmem:s6+$0x10210] =	vst v5;
	s7 =	sshrl.u32 s7, $0x3  }
0x104: {  	p0 =	seq.s32 s29, $0x4;
	s20 =	simm.s32 $0x10200;
	[tilespmem:s6+$0x10220] =	vst v3;
	s6 =	sadd.s32 s19, s7  }
0x105: {  	[hbm4b:s6+s5] =	stream.linear.scatter [tilespmem:s20], [sflag:$0x8], $0x4000, $0x38;
	[tilespmem:$0x18200] =	vst v63  }
0x106: {  	s6 =	sshll.u32 @!p0 s1, $0x4  }
0x107: {  	s6 =	sand.u32 @!p0 $0x3FFFFFF0, s6  }
0x108: {  	v3 =	vld @!p0 [tilespmem:s6+$0x0];
	_ =	sdelay $0x4  }
0x109: {  	v4 =	vshll.u32 @!p0 v3, $0x3  }
0x10a: {  	v5 =	vlaneseq.u32 @!p0;
	v3 =	vand.u32 @!p0 $0x7, v3;
	v4 =	vand.u32 @!p0 $0xFFFFFFC0, v4  }
0x10b: {  	v6 =	vshrl.u32 @!p0 v5, $0x3;
	v3 =	vor.u32 @!p0 v3, v4;
	v4 =	vand.u32 @!p0 $0x7, v5  }
0x10c: {  	v6 =	vmul.u32 @!p0 $0x8, v6;
	v4 =	vperm.xlane @!p0 v3, v4;
	_ =	sdelay $0x1  }
0x10d: {  	v4 =	vadd.s32 @!p0 v6, v4;
	_ =	sdelay $0x3  }
0x10e: {  	vm1 =	vmmov @!p0 $0xffff;
	s7 =	simm.s32 @!p0 $0x4200;
	s6 =	simm.s32 @!p0 $0x0  }
0x10f: {  	v5 =	vor.u32 @!p0 $0x8, v5;
	[tilespmem:s7], [sflag:$0x2] =	stream.indirect_vreg.gather @!p0 [hbm4b:s0+s6], $0x80, v4, vm1, $0xb8;
	[tilespmem:$0x18200] =	vst v63  }
0x110: {  	v3 =	vperm.xlane @!p0 v3, v5;
	s7 =	simm.s32 @!p0 $0x4A00  }
0x111: {  	[tilespmem:s7], [sflag:$0x2] =	stream.indirect_vreg.gather @!p0 [hbm4b:s8+s6], $0x80, v4, vm1, $0xb8;
	[tilespmem:$0x18200] =	vst v63  }
0x112: {  	v3 =	vadd.s32 @!p0 v6, v3;
	s7 =	simm.s32 @!p0 $0x5200  }
0x113: {  	[tilespmem:s7], [sflag:$0x2] =	stream.indirect_vreg.gather @!p0 [hbm4b:s9+s6], $0x80, v4, vm1, $0xb8;
	[tilespmem:$0x18200] =	vst v63  }
0x114: {  	s7 =	simm.s32 @!p0 $0x5A00  }
0x115: {  	[tilespmem:s7], [sflag:$0x2] =	stream.indirect_vreg.gather @!p0 [hbm4b:s10+s6], $0x80, v4, vm1, $0xb8;
	[tilespmem:$0x18200] =	vst v63  }
0x116: {  	s7 =	simm.s32 @!p0 $0x6200  }
0x117: {  	[tilespmem:s7], [sflag:$0x2] =	stream.indirect_vreg.gather @!p0 [hbm4b:s0+s6], $0x80, v3, vm1, $0xb8;
	[tilespmem:$0x18200] =	vst v63  }
0x118: {  	s7 =	simm.s32 @!p0 $0x6A00  }
0x119: {  	[tilespmem:s7], [sflag:$0x2] =	stream.indirect_vreg.gather @!p0 [hbm4b:s8+s6], $0x80, v3, vm1, $0xb8;
	[tilespmem:$0x18200] =	vst v63  }
0x11a: {  	s7 =	simm.s32 @!p0 $0x7200  }
0x11b: {  	[tilespmem:s7], [sflag:$0x2] =	stream.indirect_vreg.gather @!p0 [hbm4b:s9+s6], $0x80, v3, vm1, $0xb8;
	[tilespmem:$0x18200] =	vst v63  }
0x11c: {  	s7 =	simm.s32 @!p0 $0x7A00  }
0x11d: {  	[tilespmem:s7], [sflag:$0x2] =	stream.indirect_vreg.gather @!p0 [hbm4b:s10+s6], $0x80, v3, vm1, $0xb8;
	[tilespmem:$0x18200] =	vst v63  }
0x11e: {  	_ =	swait.ge [sflag:s24], $0x4000  }
0x11f: {  	[sflag:s24] =	ssyncset.done $0x0  }
0x120: {  	[sflag:s24] =	ssyncadd.s32 $0xFFFFC000  }
0x121: {  	v3 =	vld [tilespmem:s3+$0x100];
	_ =	sdelay $0x4  }
0x122: {  	v4 =	vshll.u32 v3, $0x3  }
0x123: {  	v3 =	vand.u32 $0x7, v3;
	v4 =	vand.u32 $0xFFFFFFC0, v4  }
0x124: {  	v3 =	vor.u32 v3, v4  }
0x125: {  	v4 =	vperm.xlane v3, v0;
	_ =	sdelay $0x1  }
0x126: {  	v4 =	vadd.s32 v1, v4;
	_ =	sdelay $0x3  }
0x127: {  	s30 =	simm.s32 $0xC200;
	s3 =	simm.s32 $0x0  }
0x128: {  	[tilespmem:s30], [sflag:$0x4] =	stream.indirect_vreg.gather [hbm4b:s2+s3], $0x80, v4, vm0, $0xb8;
	[tilespmem:$0x18200] =	vst v63  }
0x129: {  	s15 =	simm.s32 $0xCA00;
	v3 =	vperm.xlane v3, v2  }
0x12a: {  	[tilespmem:s15], [sflag:$0x4] =	stream.indirect_vreg.gather [hbm4b:s11+s3], $0x80, v4, vm0, $0xb8;
	[tilespmem:$0x18200] =	vst v63  }
0x12b: {  	s17 =	simm.s32 $0xD200;
	v3 =	vadd.s32 v1, v3  }
0x12c: {  	[tilespmem:s17], [sflag:$0x4] =	stream.indirect_vreg.gather [hbm4b:s12+s3], $0x80, v4, vm0, $0xb8;
	[tilespmem:$0x18200] =	vst v63  }
0x12d: {  	s18 =	simm.s32 $0xDA00  }
0x12e: {  	[tilespmem:s18], [sflag:$0x4] =	stream.indirect_vreg.gather [hbm4b:s13+s3], $0x80, v4, vm0, $0xb8;
	[tilespmem:$0x18200] =	vst v63  }
0x12f: {  	s19 =	simm.s32 $0xE200  }
0x130: {  	[tilespmem:s19], [sflag:$0x4] =	stream.indirect_vreg.gather [hbm4b:s2+s3], $0x80, v3, vm0, $0xb8;
	[tilespmem:$0x18200] =	vst v63  }
0x131: {  	s20 =	simm.s32 $0xEA00  }
0x132: {  	[tilespmem:s20], [sflag:$0x4] =	stream.indirect_vreg.gather [hbm4b:s11+s3], $0x80, v3, vm0, $0xb8;
	[tilespmem:$0x18200] =	vst v63  }
0x133: {  	s7 =	simm.s32 $0xF200  }
0x134: {  	[tilespmem:s7], [sflag:$0x4] =	stream.indirect_vreg.gather [hbm4b:s12+s3], $0x80, v3, vm0, $0xb8;
	[tilespmem:$0x18200] =	vst v63  }
0x135: {  	s15 =	simm.s32 $0xFA00  }
0x136: {  	[tilespmem:s15], [sflag:$0x4] =	stream.indirect_vreg.gather [hbm4b:s13+s3], $0x80, v3, vm0, $0xb8;
	[tilespmem:$0x18200] =	vst v63  }
0x137: {  	_ =	swait.ge [sflag:s25], $0x4000  }
0x138: {  	s17 =	simm.s32 $0x0;
	[sflag:s25] =	ssyncset.done $0x0  }
0x139: {  	s18 =	sand.u32 $0x2000, s17;
	s19 =	sand.u32 $0x1C00, s3;
	[sflag:s25] =	ssyncadd.s32 $0xFFFFC000  }
0x13a: {  	s7 =	sor.u32 s18, s19;
	s3 =	sand.u32 $0x380, s3;
	_ =	swait.ge [sflag:s26], $0x4000  }
0x13b: {  	s6 =	sand.u32 $0x40, s17;
	s3 =	sor.u32 s3, s7;
	[sflag:s26] =	ssyncset.done $0x0  }
0x13c: {  	s3 =	sor.u32 s6, s3;
	[sflag:s26] =	ssyncadd.s32 $0xFFFFC000  }
0x13d: {  	v3 =	vld [tilespmem:s3+$0x8230]  }
0x13e: {  	v4 =	vld [tilespmem:s3+$0x8200]  }
0x13f: {  	v5 =	vld [tilespmem:s3+$0x14230]  }
0x140: {  	s19 =	simm.s32 $0x200;
	s7 =	simm.s32 $0x40;
	v8 =	vld [tilespmem:s3+$0x8210]  }
0x141: {  	s17 =	sand.u32 $0x1C00, s19;
	s15 =	simm.s32 $0x8;
	s20 =	sand.u32 $0x2000, s7;
	v10 =	vld [tilespmem:s3+$0x8220]  }
0x142: {  	s18 =	sand.u32 $0x380, s15;
	s6 =	sor.u32 s20, s17;
	v11 =	vld [tilespmem:s3+$0x14200]  }
0x143: {  	s20 =	sand.u32 $0x40, s7;
	s6 =	sor.u32 s18, s6;
	v7 =	vld [tilespmem:s3+$0x14210];
	v6 =	vmul.f32 $3.200000000e+01, v3  }
0x144: {  	s6 =	sor.u32 s20, s6;
	v3 =	vld [tilespmem:s3+$0x14220]  }
0x145: {  	v63 =	vmul.f32 $3.200000000e+01, v4;
	v5 =	vadd.f32 v5, v6;
	v6 =	vld [tilespmem:s6+$0x8230]  }
0x146: {  	v4 =	vld [tilespmem:s6+$0x8200];
	v9 =	vmul.f32 $3.200000000e+01, v8  }
0x147: {  	v8 =	vmul.f32 $3.200000000e+01, v10;
	v10 =	vadd.f32 v11, v63;
	[tilespmem:s3+$0x14230] =	vst v5;
	v5 =	vld [tilespmem:s6+$0x14230]  }
.LBB2_7:
0x148: {  	s7 =	sadd.s32 $0x40, s7;
	v11 =	vld [tilespmem:s6+$0x8210];
	s19 =	sadd.s32 $0x200, s19;
	v7 =	vadd.f32 v7, v9  }
0x149: {  	s15 =	sadd.s32 $0x8, s15;
	s17 =	sand.u32 $0x2000, s7;
	s18 =	sand.u32 $0x1C00, s19;
	v12 =	vld [tilespmem:s6+$0x8220];
	[tilespmem:s3+$0x14200] =	vst v10;
	v3 =	vadd.f32 v3, v8  }
0x14a: {  	p1 =	slt.u32 s7, $0x3FC0;
	s17 =	sor.u32 s17, s18;
	s18 =	sand.u32 $0x380, s15;
	v10 =	vld [tilespmem:s6+$0x14200];
	v6 =	vmul.f32 $3.200000000e+01, v6;
	[tilespmem:s3+$0x14210] =	vst v7  }
.Ltmp2:
0x14b: {  	s20 =	sand.u32 $0x40, s7;
	s17 =	sor.u32 s18, s17;
	v13 =	vmul.f32 $3.200000000e+01, v4;
	v7 =	vld [tilespmem:s6+$0x14210];
	[tilespmem:s3+$0x14220] =	vst v3;
	(pc) =	sbr.rel @p1 .LBB2_7-.Ltmp2, $4  }
0x14c: {  	s3 =	smov.u32 s6;
	v3 =	vld [tilespmem:s6+$0x14220];
	v5 =	vadd.f32 v5, v6;
	s6 =	sor.u32 s20, s17  }
0x14d: {  	v6 =	vld [tilespmem:s6+$0x8230];
	v9 =	vmul.f32 $3.200000000e+01, v11  }
0x14e: {  	v4 =	vld [tilespmem:s6+$0x8200];
	v8 =	vmul.f32 $3.200000000e+01, v12;
	[tilespmem:s3+$0x14230] =	vst v5  }
0x14f: {  	v5 =	vld [tilespmem:s6+$0x14230];
	v10 =	vadd.f32 v10, v13  }
0x150: {  	v11 =	vld [tilespmem:s6+$0x8210]  }
0x151: {  	v12 =	vld [tilespmem:s6+$0x8220]  }
0x152: {  	v13 =	vld [tilespmem:s6+$0x14200]  }
0x153: {  	v14 =	vld [tilespmem:s6+$0x14210]  }
0x154: {  	v7 =	vadd.f32 v7, v9;
	v61 =	vld [tilespmem:s6+$0x14220];
	v6 =	vmul.f32 $3.200000000e+01, v6  }
0x155: {  	[tilespmem:s3+$0x14200] =	vst v10;
	v3 =	vadd.f32 v3, v8;
	v4 =	vmul.f32 $3.200000000e+01, v4  }
0x156: {  	[tilespmem:s3+$0x14210] =	vst v7;
	v5 =	vadd.f32 v5, v6;
	v62 =	vmul.f32 $3.200000000e+01, v11  }
0x157: {  	[tilespmem:s3+$0x14220] =	vst v3;
	v3 =	vmul.f32 $3.200000000e+01, v12;
	v4 =	vadd.f32 v13, v4  }
.Ltmp3:
0x158: {  	[tilespmem:s6+$0x14230] =	vst v5;
	v63 =	vadd.f32 v14, v62;
	(pc) =	sbr.rel @p0 .LBB2_10-.Ltmp3, $4  }
0x159: {  	[tilespmem:s6+$0x14200] =	vst v4;
	v3 =	vadd.f32 v61, v3  }
0x15a: {  	s20 =	sshll.u32 s31, $0xB;
	[tilespmem:s6+$0x14210] =	vst v63  }
0x15b: {  	s31 =	simm.s32 $0x14200;
	s3 =	sadd.s32 s20, s14;
	[tilespmem:s6+$0x14220] =	vst v3  }
0x15c: {  	[hbm4b:s3+s5] =	stream.linear.scatter [tilespmem:s31], [sflag:$0x9], $0x4000, $0x38;
	[tilespmem:$0x18200] =	vst v63  }
0x15d: {  	s3 =	sshra.s32 s4, $0x2  }
0x15e: {  	v3 =	vld [tilespmem:s3+$0x50];
	_ =	sdelay $0x4  }
0x15f: {  	v4 =	vshll.u32 v3, $0x3  }
0x160: {  	v3 =	vand.u32 $0x7, v3;
	v4 =	vand.u32 $0xFFFFFFC0, v4  }
0x161: {  	v3 =	vor.u32 v3, v4  }
0x162: {  	v4 =	vperm.xlane v3, v0;
	_ =	sdelay $0x1  }
0x163: {  	v4 =	vadd.s32 v1, v4;
	_ =	sdelay $0x3  }
0x164: {  	s7 =	simm.s32 $0x8200  }
0x165: {  	[tilespmem:s7], [sflag:$0x3] =	stream.indirect_vreg.gather [hbm4b:s0+s5], $0x80, v4, vm0, $0xb8;
	[tilespmem:$0x18200] =	vst v63  }
0x166: {  	s15 =	simm.s32 $0x8A00;
	v3 =	vperm.xlane v3, v2  }
0x167: {  	[tilespmem:s15], [sflag:$0x3] =	stream.indirect_vreg.gather [hbm4b:s8+s5], $0x80, v4, vm0, $0xb8;
	[tilespmem:$0x18200] =	vst v63  }
0x168: {  	s17 =	simm.s32 $0x9200;
	v3 =	vadd.s32 v1, v3  }
0x169: {  	[tilespmem:s17], [sflag:$0x3] =	stream.indirect_vreg.gather [hbm4b:s9+s5], $0x80, v4, vm0, $0xb8;
	[tilespmem:$0x18200] =	vst v63  }
0x16a: {  	s18 =	simm.s32 $0x9A00  }
0x16b: {  	[tilespmem:s18], [sflag:$0x3] =	stream.indirect_vreg.gather [hbm4b:s10+s5], $0x80, v4, vm0, $0xb8;
	[tilespmem:$0x18200] =	vst v63  }
0x16c: {  	s19 =	simm.s32 $0xA200  }
0x16d: {  	[tilespmem:s19], [sflag:$0x3] =	stream.indirect_vreg.gather [hbm4b:s0+s5], $0x80, v3, vm0, $0xb8;
	[tilespmem:$0x18200] =	vst v63  }
0x16e: {  	s20 =	simm.s32 $0xAA00  }
0x16f: {  	[tilespmem:s20], [sflag:$0x3] =	stream.indirect_vreg.gather [hbm4b:s8+s5], $0x80, v3, vm0, $0xb8;
	[tilespmem:$0x18200] =	vst v63  }
0x170: {  	s31 =	simm.s32 $0xB200  }
0x171: {  	[tilespmem:s31], [sflag:$0x3] =	stream.indirect_vreg.gather [hbm4b:s9+s5], $0x80, v3, vm0, $0xb8;
	[tilespmem:$0x18200] =	vst v63  }
0x172: {  	s4 =	simm.s32 $0xBA00  }
0x173: {  	[tilespmem:s4], [sflag:$0x3] =	stream.indirect_vreg.gather [hbm4b:s10+s5], $0x80, v3, vm0, $0xb8;
	[tilespmem:$0x18200] =	vst v63  }
0x174: {  	_ =	swait.ge [sflag:s28], $0x4000  }
0x175: {  	s1 =	sshll.u32 s1, $0x4;
	[sflag:s28] =	ssyncset.done $0x0  }
0x176: {  	s1 =	sand.u32 $0x3FFFFFF0, s1;
	[sflag:s28] =	ssyncadd.s32 $0xFFFFC000  }
0x177: {  	v3 =	vld [tilespmem:s1+$0x100];
	_ =	sdelay $0x4  }
0x178: {  	v63 =	vshll.u32 v3, $0x3  }
0x179: {  	v3 =	vand.u32 $0x7, v3;
	v4 =	vand.u32 $0xFFFFFFC0, v63  }
0x17a: {  	v3 =	vor.u32 v3, v4  }
0x17b: {  	v4 =	vperm.xlane v3, v0;
	_ =	sdelay $0x1  }
0x17c: {  	v4 =	vadd.s32 v1, v4;
	_ =	sdelay $0x3  }
0x17d: {  	s6 =	simm.s32 $0x10200  }
0x17e: {  	[tilespmem:s6], [sflag:$0x5] =	stream.indirect_vreg.gather [hbm4b:s2+s5], $0x80, v4, vm0, $0xb8;
	[tilespmem:$0x18200] =	vst v63  }
0x17f: {  	s7 =	simm.s32 $0x10A00;
	v3 =	vperm.xlane v3, v2  }
0x180: {  	[tilespmem:s7], [sflag:$0x5] =	stream.indirect_vreg.gather [hbm4b:s11+s5], $0x80, v4, vm0, $0xb8;
	[tilespmem:$0x18200] =	vst v63  }
0x181: {  	s15 =	simm.s32 $0x11200;
	v3 =	vadd.s32 v1, v3  }
0x182: {  	[tilespmem:s15], [sflag:$0x5] =	stream.indirect_vreg.gather [hbm4b:s12+s5], $0x80, v4, vm0, $0xb8;
	[tilespmem:$0x18200] =	vst v63  }
0x183: {  	s17 =	simm.s32 $0x11A00  }
0x184: {  	[tilespmem:s17], [sflag:$0x5] =	stream.indirect_vreg.gather [hbm4b:s13+s5], $0x80, v4, vm0, $0xb8;
	[tilespmem:$0x18200] =	vst v63  }
0x185: {  	s18 =	simm.s32 $0x12200  }
0x186: {  	[tilespmem:s18], [sflag:$0x5] =	stream.indirect_vreg.gather [hbm4b:s2+s5], $0x80, v3, vm0, $0xb8;
	[tilespmem:$0x18200] =	vst v63  }
0x187: {  	s19 =	simm.s32 $0x12A00  }
0x188: {  	[tilespmem:s19], [sflag:$0x5] =	stream.indirect_vreg.gather [hbm4b:s11+s5], $0x80, v3, vm0, $0xb8;
	[tilespmem:$0x18200] =	vst v63  }
.Ltmp4:
0x189: {  	_ = 	snop;
	(pc) =	sbr.rel .LBB2_2-.Ltmp4, $4  }
0x18a: {  	s20 =	simm.s32 $0x13200  }
0x18b: {  	[tilespmem:s20], [sflag:$0x5] =	stream.indirect_vreg.gather [hbm4b:s12+s5], $0x80, v3, vm0, $0xb8;
	[tilespmem:$0x18200] =	vst v63  }
0x18c: {  	s29 =	sadd.s32 $0x1, s29;
	s31 =	simm.s32 $0x13A00  }
0x18d: {  	[tilespmem:s31], [sflag:$0x5] =	stream.indirect_vreg.gather [hbm4b:s13+s5], $0x80, v3, vm0, $0xb8;
	[tilespmem:$0x18200] =	vst v63  }
.LBB2_10:
0x18e: {  	_ =	swait.ge [sflag:s21], $0x4000  }
0x18f: {  	s1 =	simm.s32 $0x0;
	s3 =	simm.s32 $0x0;
	[sflag:s21] =	ssyncset.done $0x0  }
0x190: {  	s4 =	sand.u32 $0x2000, s3;
	s6 =	sand.u32 $0x1C00, s1;
	[sflag:s21] =	ssyncadd.s32 $0xFFFFC000  }
0x191: {  	s1 =	sand.u32 $0x380, s1;
	s4 =	sor.u32 s4, s6;
	_ =	swait.ge [sflag:s22], $0x4000  }
0x192: {  	s3 =	sand.u32 $0x40, s3;
	s1 =	sor.u32 s1, s4;
	[sflag:s22] =	ssyncset.done $0x0  }
0x193: {  	s1 =	sor.u32 s3, s1;
	[sflag:s22] =	ssyncadd.s32 $0xFFFFC000  }
0x194: {  	v3 =	vld [tilespmem:s1+$0x230]  }
0x195: {  	v4 =	vld [tilespmem:s1+$0x200]  }
0x196: {  	v5 =	vld [tilespmem:s1+$0xC230]  }
0x197: {  	s6 =	simm.s32 $0x200;
	s4 =	simm.s32 $0x40;
	v8 =	vld [tilespmem:s1+$0x210]  }
0x198: {  	s7 =	simm.s32 $0x8;
	s15 =	sand.u32 $0x1C00, s6;
	s29 =	sand.u32 $0x2000, s4;
	v10 =	vld [tilespmem:s1+$0x220]  }
0x199: {  	s31 =	sand.u32 $0x380, s7;
	s3 =	sor.u32 s29, s15;
	v11 =	vld [tilespmem:s1+$0xC200]  }
0x19a: {  	s17 =	sand.u32 $0x40, s4;
	s3 =	sor.u32 s31, s3;
	v7 =	vld [tilespmem:s1+$0xC210];
	v6 =	vmul.f32 $3.200000000e+01, v3  }
0x19b: {  	s3 =	sor.u32 s17, s3;
	v3 =	vld [tilespmem:s1+$0xC220]  }
0x19c: {  	v12 =	vmul.f32 $3.200000000e+01, v4;
	v5 =	vadd.f32 v5, v6;
	v6 =	vld [tilespmem:s3+$0x230]  }
0x19d: {  	v4 =	vld [tilespmem:s3+$0x200];
	v9 =	vmul.f32 $3.200000000e+01, v8  }
0x19e: {  	v8 =	vmul.f32 $3.200000000e+01, v10;
	v10 =	vadd.f32 v11, v12;
	[tilespmem:s1+$0xC230] =	vst v5;
	v5 =	vld [tilespmem:s3+$0xC230]  }
.LBB2_11:
0x19f: {  	s4 =	sadd.s32 $0x40, s4;
	v11 =	vld [tilespmem:s3+$0x210];
	s6 =	sadd.s32 $0x200, s6;
	v7 =	vadd.f32 v7, v9  }
0x1a0: {  	s7 =	sadd.s32 $0x8, s7;
	s15 =	sand.u32 $0x2000, s4;
	s17 =	sand.u32 $0x1C00, s6;
	v12 =	vld [tilespmem:s3+$0x220];
	[tilespmem:s1+$0xC200] =	vst v10;
	v3 =	vadd.f32 v3, v8  }
0x1a1: {  	p0 =	slt.u32 s4, $0x3FC0;
	s15 =	sor.u32 s15, s17;
	s17 =	sand.u32 $0x380, s7;
	v10 =	vld [tilespmem:s3+$0xC200];
	v6 =	vmul.f32 $3.200000000e+01, v6;
	[tilespmem:s1+$0xC210] =	vst v7  }
.Ltmp5:
0x1a2: {  	s18 =	sand.u32 $0x40, s4;
	s15 =	sor.u32 s17, s15;
	v13 =	vmul.f32 $3.200000000e+01, v4;
	v7 =	vld [tilespmem:s3+$0xC210];
	[tilespmem:s1+$0xC220] =	vst v3;
	(pc) =	sbr.rel @p0 .LBB2_11-.Ltmp5, $4  }
0x1a3: {  	s1 =	smov.u32 s3;
	v3 =	vld [tilespmem:s3+$0xC220];
	v5 =	vadd.f32 v5, v6;
	s3 =	sor.u32 s18, s15  }
0x1a4: {  	v6 =	vld [tilespmem:s3+$0x230];
	v9 =	vmul.f32 $3.200000000e+01, v11  }
0x1a5: {  	v4 =	vld [tilespmem:s3+$0x200];
	v8 =	vmul.f32 $3.200000000e+01, v12;
	[tilespmem:s1+$0xC230] =	vst v5  }
0x1a6: {  	v5 =	vld [tilespmem:s3+$0xC230];
	v10 =	vadd.f32 v10, v13  }
0x1a7: {  	v11 =	vld [tilespmem:s3+$0x210]  }
0x1a8: {  	v12 =	vld [tilespmem:s3+$0x220]  }
0x1a9: {  	v13 =	vld [tilespmem:s3+$0xC200]  }
0x1aa: {  	v14 =	vld [tilespmem:s3+$0xC210]  }
0x1ab: {  	v7 =	vadd.f32 v7, v9;
	v61 =	vld [tilespmem:s3+$0xC220];
	v6 =	vmul.f32 $3.200000000e+01, v6  }
0x1ac: {  	[tilespmem:s1+$0xC200] =	vst v10;
	v3 =	vadd.f32 v3, v8;
	v4 =	vmul.f32 $3.200000000e+01, v4  }
0x1ad: {  	[tilespmem:s1+$0xC210] =	vst v7;
	v5 =	vadd.f32 v5, v6;
	v62 =	vmul.f32 $3.200000000e+01, v11  }
0x1ae: {  	[tilespmem:s1+$0xC220] =	vst v3;
	v3 =	vmul.f32 $3.200000000e+01, v12;
	v4 =	vadd.f32 v13, v4  }
0x1af: {  	[tilespmem:s3+$0xC230] =	vst v5;
	v63 =	vadd.f32 v14, v62  }
0x1b0: {  	[tilespmem:s3+$0xC200] =	vst v4;
	v3 =	vadd.f32 v61, v3  }
0x1b1: {  	[tilespmem:s3+$0xC210] =	vst v63  }
0x1b2: {  	[tilespmem:s3+$0xC220] =	vst v3  }
0x1b3: {  	s1 =	rddreg [dreg:$0x9]  }
0x1b4: {  	[hbm4b:s1+s5] =	stream.linear.scatter [tilespmem:s30], [sflag:$0x7], $0x4000, $0x38;
	[tilespmem:$0x18200] =	vst v63  }
0x1b5: {  	_ =	swait.ge [sflag:s28], $0x4000  }
0x1b6: {  	[sflag:s28] =	ssyncset.done $0x0  }
0x1b7: {  	s20 =	simm.s32 $0x9;
	[sflag:s28] =	ssyncadd.s32 $0xFFFFC000  }
0x1b8: {  	_ =	swait.ge [sflag:s20], $0x4000  }
0x1b9: {  	[sflag:s20] =	ssyncset.done $0x0  }
0x1ba: {  	[sflag:s20] =	ssyncadd.s32 $0xFFFFC000  }
0x1bb: {  	_ =	swait.ge [sflag:s24], $0x4000  }
0x1bc: {  	s29 =	rddreg [dreg:$0xb]  }
0x1bd: {  	s31 =	rddreg [dreg:$0xa];
	s3 =	sadd.s32 $0x1, s29  }
0x1be: {  	p0 =	sne.s32 s3, s31  }
.Ltmp6:
0x1bf: {  	_ = 	snop;
	(pc) =	sbr.rel @p0 .LBB2_1-.Ltmp6, $3  }
0x1c0: {  	_ =	sdelay $0x1  }
0x1c1: {  	[sflag:s24] =	ssyncset.done $0x0  }
0x1c2: {  	[sflag:s24] =	ssyncadd.s32 $0xFFFFC000  }
0x1c3: {  	_ =	sfence.sel $0x180000  }
0x1c4: {  	[bflag:$0x0] =	sbarrier.arrive $0xFFFF  }
0x1c5: {  	_ =	strace $0x90000047  }
0x1c6: {  	s0 =	stileid.u32;
	[bflag:$0x2] =	sbarrier.arrive $0xFFFF  }
0x1c7: {  	p0 =	sne.s32 s0, $0x0;
	s0 =	rddreg [dreg:$0x5]  }
0x1c8: {  	s0 =	sadd.s32 @!p0 $0x100000, s0  }
0x1c9: {  	[sflag:s0] =	ssyncadd.tile.s32 @!p0 $0x1;
	_ =	shalt  }
.Lfunc_end2:
_tile_overlayer_lowered:
.L_overlay_start_2:
0x1ca: {  	(tag) =	ssettag $0x2  }
0x1cb: {  	s0 =	rddreg [dreg:$0x0];
	s2 =	stileid.u32  }
0x1cc: {  	s1 =	rddreg [dreg:$0x1];
	p0 =	sne.s32 s2, $0x0  }
0x1cd: {  	s3 =	rddreg [dreg:$0x2];
	[bflag:$0x3] =	sbarrier.arrive $0xFFFF;
	s2 =	simm.s32 @!p0 $0x1C0A  }
0x1ce: {  	[timem:s3], [sflag:s2] =	dma.local @!p0 [hbm:s0], s1  }
0x1cf: {  	s0 =	simm.s32 @!p0 $0xA  }
0x1d0: {  	_ =	swait.ge @!p0 [sflag:s0], s1  }
0x1d1: {  	s1 =	ssub.s32 @!p0 $0x0, s1;
	[sflag:s0] =	ssyncset.done @!p0 $0x0  }
0x1d2: {  	[sflag:s0] =	ssyncadd.s32 @!p0 s1  }
0x1d3: {  	[bflag:$0x3] =	sbarrier.arrive $0xFFFF  }
0x1d4: {  	_ =	shalt  }

</sc_bundles>
